<compile_context>
chip_gen: v7x
topology: tpu7x:2x2x1
jax: 0.10.2.dev20260603
libtpu: 0.0.44.dev20260713+nightly
codegen_flags: <defaults>
</compile_context>

<pallas_src>
import functools

import jax
import jax.numpy as jnp
from jax import lax
from jax.experimental import pallas as pl
from jax.experimental.pallas import tpu as pltpu
from jax.experimental.pallas import tpu_sc as plsc

_NC = 2
_NS = 16
_L = 16
_NW = _NC * _NS


def _grab_body(H, W, n_units, ppw,
               xt_hbm, chans_hbm, coordsT_hbm, out_hbm,
               chans_v, c01_v, rowbuf_v, out_v, sem, sem2):
    wid = lax.axis_index("s") * _NC + lax.axis_index("c")
    base = wid * ppw

    cp_ch = pltpu.async_copy(chans_hbm, chans_v, sem2)
    pltpu.async_copy(coordsT_hbm, c01_v, sem).wait()

    copies = []
    for i in range(ppw // _L):
        p0 = base + i * _L
        u0 = lax.rem(p0, n_units)
        b = lax.div(p0, n_units)
        row = (b * H + c01_v[0, pl.ds(u0, _L)]) * W + c01_v[1, pl.ds(u0, _L)]
        copies.append(pltpu.async_copy(
            xt_hbm.at[row],
            rowbuf_v.at[pl.ds(i * _L, _L)],
            sem,
        ))
    cp_ch.wait()

    outcps = []
    for i in range(ppw // _L):
        copies[i].wait()
        u0 = lax.rem(base + i * _L, n_units)
        pos = i * _L + lax.iota(jnp.int32, _L)
        ch = chans_v[pl.ds(u0, _L)]
        out_v[pl.ds(i * _L, _L)] = plsc.load_gather(rowbuf_v, [pos, ch])
        outcps.append(pltpu.async_copy(
            out_v.at[pl.ds(i * _L, _L)],
            out_hbm.at[pl.ds(base + i * _L, _L)], sem2))
    for cp in outcps:
        cp.wait()


def kernel(x, chans, coords):
    B, C, H, W = x.shape
    n_units = chans.shape[0]
    total = B * n_units
    assert total % (_NW * _L) == 0
    assert n_units % _L == 0
    assert C == 128
    ppw = total // _NW

    xt = jnp.transpose(x, (0, 2, 3, 1)).reshape(-1, C)
    chans32 = chans.astype(jnp.int32)
    coordsT = jnp.transpose(coords.astype(jnp.int32))

    mesh = plsc.VectorSubcoreMesh(
        core_axis_name="c", subcore_axis_name="s",
        num_cores=_NC, num_subcores=_NS,
    )
    body = functools.partial(_grab_body, H, W, n_units, ppw)
    out = pl.kernel(
        body,
        out_type=jax.ShapeDtypeStruct((total,), jnp.float32),
        mesh=mesh,
        compiler_params=pltpu.CompilerParams(needs_layout_passes=False),
        scratch_types=[
            pltpu.VMEM((n_units,), jnp.int32),
            pltpu.VMEM((2, n_units), jnp.int32),
            pltpu.VMEM((ppw, 128), jnp.float32),
            pltpu.VMEM((ppw,), jnp.float32),
            pltpu.SemaphoreType.DMA,
            pltpu.SemaphoreType.DMA,
        ],
    )(xt, chans32, coordsT)
    return out.reshape(B, n_units)

# --- scband reference (transcript-rebuilt; emitter-appended) ---
"""Pipeline reference for scband-grab-units-24945170055322 (READ-ONLY COPY).

The authoritative reference and input builder live on the scoring server;
editing this copy changes nothing except your own understanding.
"""

import jax, jax.numpy as jnp
import numpy as np


def _centers2coords(centers, ksizes, img_shape):
    # Matches GrabUnits.centers2coords: stride 1, zero padding assumption.
    half_effective_ksize = (ksizes[0] - 1) + (ksizes[1] - 1) + (ksizes[2] // 2 - 1) + 1
    coords = []
    for center in centers:
        row = min(max(0, center[0] - half_effective_ksize), img_shape[1] - 2 * (half_effective_ksize - 1))
        col = min(max(0, center[1] - half_effective_ksize), img_shape[2] - 2 * (half_effective_ksize - 1))
        coords.append([row, col])
    return jnp.asarray(np.array(coords, dtype=np.int64))


def setup_inputs(seed: int = 0):
    key = jax.random.key(seed)
    B, C, H, W = 64, 128, 200, 200
    n_units = 128
    centers = [[i, 223 - i] for i in range(n_units)]
    ksizes = [15, 9, 9]
    img_shape = [3, 224, 224]
    coords = _centers2coords(centers, ksizes, img_shape)  # [n_units, 2] int64, values <= 174 < 200
    chans = jnp.arange(n_units, dtype=jnp.int64)
    x = jax.random.normal(key, (B, C, H, W), dtype=jnp.float32)
    return {"x": x, "chans": chans, "coords": coords}


def reference(x, chans, coords):
    # units = x[..., :, chans, coords[:,0], coords[:,1]] -> [B, n_units]
    units = x[..., :, chans, coords[:, 0], coords[:, 1]]
    return units

if __name__ == "__main__":
    import jax
    _d = setup_inputs()
    print(jax.jit(kernel)(*tuple(_d.values())))

</pallas_src>

<mosaic_0001>
#map = affine_map<(d0, d1) -> (0, 0)>
#map1 = affine_map<(d0, d1) -> (0)>
module attributes {stable_mosaic.version = 14 : i64} {
  func.func @_grab_body(%arg0: i32, %arg1: i32, %arg2: memref<2560000x128xf32, #tpu.memory_space<hbm>>, %arg3: memref<128xi32, #tpu.memory_space<hbm>>, %arg4: memref<2x128xi32, #tpu.memory_space<hbm>>, %arg5: memref<8192xf32, #tpu.memory_space<hbm>>, %arg6: memref<128xi32, #tpu.memory_space<vmem>>, %arg7: memref<2x128xi32, #tpu.memory_space<vmem>>, %arg8: memref<256x128xf32, #tpu.memory_space<vmem>>, %arg9: memref<256xf32, #tpu.memory_space<vmem>>, %arg10: memref<!tpu.dma_semaphore, #tpu.memory_space<semaphore_mem>>, %arg11: memref<!tpu.dma_semaphore, #tpu.memory_space<semaphore_mem>>) attributes {dimension_semantics = [#tpu.dimension_semantics<core_parallel>, #tpu.dimension_semantics<subcore_parallel>], iteration_bounds = array<i64: 2, 16>, scalar_prefetch = 0 : i64, scratch_operands = 6 : i64, tpu.core_type = #tpu.core_type<sc_vector_subcore>, window_params = [{transform_indices = #map}, {transform_indices = #map1}, {transform_indices = #map}, {transform_indices = #map1}]} {
    %mul3A = arith.constant 2 : i32
    %mul3A_0 = arith.muli %arg1, %mul3A : i32
    %add3A = arith.addi %mul3A_0, %arg0 : i32
    %mul3A_1 = arith.constant 256 : i32
    %mul3A_2 = arith.muli %add3A, %mul3A_1 : i32
    tpu.enqueue_dma source(%arg3 : memref<128xi32, #tpu.memory_space<hbm>>) target(%arg6 : memref<128xi32, #tpu.memory_space<vmem>>) target_semaphore(%arg11 : memref<!tpu.dma_semaphore, #tpu.memory_space<semaphore_mem>>)
    tpu.enqueue_dma source(%arg4 : memref<2x128xi32, #tpu.memory_space<hbm>>) target(%arg7 : memref<2x128xi32, #tpu.memory_space<vmem>>) target_semaphore(%arg10 : memref<!tpu.dma_semaphore, #tpu.memory_space<semaphore_mem>>)
    tpu.wait_dma2 semaphore(%arg10 : memref<!tpu.dma_semaphore, #tpu.memory_space<semaphore_mem>>) src(%arg4 : memref<2x128xi32, #tpu.memory_space<hbm>>) dst(%arg7 : memref<2x128xi32, #tpu.memory_space<vmem>>)
    %add3A_3 = arith.constant 0 : i32
    %add3A_4 = arith.addi %mul3A_2, %add3A_3 : i32
    %rem3A = arith.constant 128 : i32
    %rem3A_5 = arith.remsi %add3A_4, %rem3A : i32
    %div3A = arith.constant 128 : i32
    %div3A_6 = arith.divsi %add3A_4, %div3A : i32
    %mul3A_7 = arith.constant 200 : i32
    %mul3A_8 = arith.muli %div3A_6, %mul3A_7 : i32
    %get3A = arith.constant 0 : i32
    %get3A_9 = arith.index_cast %get3A : i32 to index
    %get3A_10 = arith.index_cast %rem3A_5 : i32 to index
    %get3A_11 = tpu.vector_load %arg7[%get3A_9, %get3A_10] {strides = array<i32>} : memref<2x128xi32, #tpu.memory_space<vmem>>, vector<16xi32>,
    %add3A_12 = vector.broadcast %mul3A_8 : i32 to vector<16xi32>
    %add3A_13 = arith.addi %add3A_12, %get3A_11 : vector<16xi32>
    %mul3A_14 = arith.constant 200 : i32
    %mul3A_15 = vector.broadcast %mul3A_14 : i32 to vector<16xi32>
    %mul3A_16 = arith.muli %add3A_13, %mul3A_15 : vector<16xi32>
    %get3A_17 = arith.constant 1 : i32
    %get3A_18 = arith.index_cast %get3A_17 : i32 to index
    %get3A_19 = arith.index_cast %rem3A_5 : i32 to index
    %get3A_20 = tpu.vector_load %arg7[%get3A_18, %get3A_19] {strides = array<i32>} : memref<2x128xi32, #tpu.memory_space<vmem>>, vector<16xi32>,
    %add3A_21 = arith.addi %mul3A_16, %get3A_20 : vector<16xi32>
    %dma_start3A = arith.constant 0 : i32
    %dma_start3A_22 = arith.constant 0 : i32
    %dma_start3A_23 = tpu.memref_slice %arg8[%dma_start3A, %dma_start3A_22] : memref<256x128xf32, #tpu.memory_space<vmem>> -> memref<16x128xf32, #tpu.memory_space<vmem>>
    %dma_start3A_24 = arith.constant 0 : i32
    %dma_start3A_25 = arith.constant 0 : i32
    %dma_start3A_26 = tpu.memref_slice %arg2[%dma_start3A_24, %dma_start3A_25] : memref<2560000x128xf32, #tpu.memory_space<hbm>> -> memref<2560000x128xf32, #tpu.memory_space<hbm>>
    tpu.enqueue_indirect_dma source(%dma_start3A_26 : memref<2560000x128xf32, #tpu.memory_space<hbm>>) target(%dma_start3A_23 : memref<16x128xf32, #tpu.memory_space<vmem>>) offsets(%add3A_21 : vector<16xi32>) semaphore(%arg10 : memref<!tpu.dma_semaphore, #tpu.memory_space<semaphore_mem>>)
    %add3A_27 = arith.constant 16 : i32
    %add3A_28 = arith.addi %mul3A_2, %add3A_27 : i32
    %rem3A_29 = arith.constant 128 : i32
    %rem3A_30 = arith.remsi %add3A_28, %rem3A_29 : i32
    %div3A_31 = arith.constant 128 : i32
    %div3A_32 = arith.divsi %add3A_28, %div3A_31 : i32
    %mul3A_33 = arith.constant 200 : i32
    %mul3A_34 = arith.muli %div3A_32, %mul3A_33 : i32
    %get3A_35 = arith.constant 0 : i32
    %get3A_36 = arith.index_cast %get3A_35 : i32 to index
    %get3A_37 = arith.index_cast %rem3A_30 : i32 to index
    %get3A_38 = tpu.vector_load %arg7[%get3A_36, %get3A_37] {strides = array<i32>} : memref<2x128xi32, #tpu.memory_space<vmem>>, vector<16xi32>,
    %add3A_39 = vector.broadcast %mul3A_34 : i32 to vector<16xi32>
    %add3A_40 = arith.addi %add3A_39, %get3A_38 : vector<16xi32>
    %mul3A_41 = arith.constant 200 : i32
    %mul3A_42 = vector.broadcast %mul3A_41 : i32 to vector<16xi32>
    %mul3A_43 = arith.muli %add3A_40, %mul3A_42 : vector<16xi32>
    %get3A_44 = arith.constant 1 : i32
    %get3A_45 = arith.index_cast %get3A_44 : i32 to index
    %get3A_46 = arith.index_cast %rem3A_30 : i32 to index
    %get3A_47 = tpu.vector_load %arg7[%get3A_45, %get3A_46] {strides = array<i32>} : memref<2x128xi32, #tpu.memory_space<vmem>>, vector<16xi32>,
    %add3A_48 = arith.addi %mul3A_43, %get3A_47 : vector<16xi32>
    %dma_start3A_49 = arith.constant 16 : i32
    %dma_start3A_50 = arith.constant 0 : i32
    %dma_start3A_51 = tpu.memref_slice %arg8[%dma_start3A_49, %dma_start3A_50] : memref<256x128xf32, #tpu.memory_space<vmem>> -> memref<16x128xf32, #tpu.memory_space<vmem>>
    %dma_start3A_52 = arith.constant 0 : i32
    %dma_start3A_53 = arith.constant 0 : i32
    %dma_start3A_54 = tpu.memref_slice %arg2[%dma_start3A_52, %dma_start3A_53] : memref<2560000x128xf32, #tpu.memory_space<hbm>> -> memref<2560000x128xf32, #tpu.memory_space<hbm>>
    tpu.enqueue_indirect_dma source(%dma_start3A_54 : memref<2560000x128xf32, #tpu.memory_space<hbm>>) target(%dma_start3A_51 : memref<16x128xf32, #tpu.memory_space<vmem>>) offsets(%add3A_48 : vector<16xi32>) semaphore(%arg10 : memref<!tpu.dma_semaphore, #tpu.memory_space<semaphore_mem>>)
    %add3A_55 = arith.constant 32 : i32
    %add3A_56 = arith.addi %mul3A_2, %add3A_55 : i32
    %rem3A_57 = arith.constant 128 : i32
    %rem3A_58 = arith.remsi %add3A_56, %rem3A_57 : i32
    %div3A_59 = arith.constant 128 : i32
    %div3A_60 = arith.divsi %add3A_56, %div3A_59 : i32
    %mul3A_61 = arith.constant 200 : i32
    %mul3A_62 = arith.muli %div3A_60, %mul3A_61 : i32
    %get3A_63 = arith.constant 0 : i32
    %get3A_64 = arith.index_cast %get3A_63 : i32 to index
    %get3A_65 = arith.index_cast %rem3A_58 : i32 to index
    %get3A_66 = tpu.vector_load %arg7[%get3A_64, %get3A_65] {strides = array<i32>} : memref<2x128xi32, #tpu.memory_space<vmem>>, vector<16xi32>,
    %add3A_67 = vector.broadcast %mul3A_62 : i32 to vector<16xi32>
    %add3A_68 = arith.addi %add3A_67, %get3A_66 : vector<16xi32>
    %mul3A_69 = arith.constant 200 : i32
    %mul3A_70 = vector.broadcast %mul3A_69 : i32 to vector<16xi32>
    %mul3A_71 = arith.muli %add3A_68, %mul3A_70 : vector<16xi32>
    %get3A_72 = arith.constant 1 : i32
    %get3A_73 = arith.index_cast %get3A_72 : i32 to index
    %get3A_74 = arith.index_cast %rem3A_58 : i32 to index
    %get3A_75 = tpu.vector_load %arg7[%get3A_73, %get3A_74] {strides = array<i32>} : memref<2x128xi32, #tpu.memory_space<vmem>>, vector<16xi32>,
    %add3A_76 = arith.addi %mul3A_71, %get3A_75 : vector<16xi32>
    %dma_start3A_77 = arith.constant 32 : i32
    %dma_start3A_78 = arith.constant 0 : i32
    %dma_start3A_79 = tpu.memref_slice %arg8[%dma_start3A_77, %dma_start3A_78] : memref<256x128xf32, #tpu.memory_space<vmem>> -> memref<16x128xf32, #tpu.memory_space<vmem>>
    %dma_start3A_80 = arith.constant 0 : i32
    %dma_start3A_81 = arith.constant 0 : i32
    %dma_start3A_82 = tpu.memref_slice %arg2[%dma_start3A_80, %dma_start3A_81] : memref<2560000x128xf32, #tpu.memory_space<hbm>> -> memref<2560000x128xf32, #tpu.memory_space<hbm>>
    tpu.enqueue_indirect_dma source(%dma_start3A_82 : memref<2560000x128xf32, #tpu.memory_space<hbm>>) target(%dma_start3A_79 : memref<16x128xf32, #tpu.memory_space<vmem>>) offsets(%add3A_76 : vector<16xi32>) semaphore(%arg10 : memref<!tpu.dma_semaphore, #tpu.memory_space<semaphore_mem>>)
    %add3A_83 = arith.constant 48 : i32
    %add3A_84 = arith.addi %mul3A_2, %add3A_83 : i32
    %rem3A_85 = arith.constant 128 : i32
    %rem3A_86 = arith.remsi %add3A_84, %rem3A_85 : i32
    %div3A_87 = arith.constant 128 : i32
    %div3A_88 = arith.divsi %add3A_84, %div3A_87 : i32
    %mul3A_89 = arith.constant 200 : i32
    %mul3A_90 = arith.muli %div3A_88, %mul3A_89 : i32
    %get3A_91 = arith.constant 0 : i32
    %get3A_92 = arith.index_cast %get3A_91 : i32 to index
    %get3A_93 = arith.index_cast %rem3A_86 : i32 to index
    %get3A_94 = tpu.vector_load %arg7[%get3A_92, %get3A_93] {strides = array<i32>} : memref<2x128xi32, #tpu.memory_space<vmem>>, vector<16xi32>,
    %add3A_95 = vector.broadcast %mul3A_90 : i32 to vector<16xi32>
    %add3A_96 = arith.addi %add3A_95, %get3A_94 : vector<16xi32>
    %mul3A_97 = arith.constant 200 : i32
    %mul3A_98 = vector.broadcast %mul3A_97 : i32 to vector<16xi32>
    %mul3A_99 = arith.muli %add3A_96, %mul3A_98 : vector<16xi32>
    %get3A_100 = arith.constant 1 : i32
    %get3A_101 = arith.index_cast %get3A_100 : i32 to index
    %get3A_102 = arith.index_cast %rem3A_86 : i32 to index
    %get3A_103 = tpu.vector_load %arg7[%get3A_101, %get3A_102] {strides = array<i32>} : memref<2x128xi32, #tpu.memory_space<vmem>>, vector<16xi32>,
    %add3A_104 = arith.addi %mul3A_99, %get3A_103 : vector<16xi32>
    %dma_start3A_105 = arith.constant 48 : i32
    %dma_start3A_106 = arith.constant 0 : i32
    %dma_start3A_107 = tpu.memref_slice %arg8[%dma_start3A_105, %dma_start3A_106] : memref<256x128xf32, #tpu.memory_space<vmem>> -> memref<16x128xf32, #tpu.memory_space<vmem>>
    %dma_start3A_108 = arith.constant 0 : i32
    %dma_start3A_109 = arith.constant 0 : i32
    %dma_start3A_110 = tpu.memref_slice %arg2[%dma_start3A_108, %dma_start3A_109] : memref<2560000x128xf32, #tpu.memory_space<hbm>> -> memref<2560000x128xf32, #tpu.memory_space<hbm>>
    tpu.enqueue_indirect_dma source(%dma_start3A_110 : memref<2560000x128xf32, #tpu.memory_space<hbm>>) target(%dma_start3A_107 : memref<16x128xf32, #tpu.memory_space<vmem>>) offsets(%add3A_104 : vector<16xi32>) semaphore(%arg10 : memref<!tpu.dma_semaphore, #tpu.memory_space<semaphore_mem>>)
    %add3A_111 = arith.constant 64 : i32
    %add3A_112 = arith.addi %mul3A_2, %add3A_111 : i32
    %rem3A_113 = arith.constant 128 : i32
    %rem3A_114 = arith.remsi %add3A_112, %rem3A_113 : i32
    %div3A_115 = arith.constant 128 : i32
    %div3A_116 = arith.divsi %add3A_112, %div3A_115 : i32
    %mul3A_117 = arith.constant 200 : i32
    %mul3A_118 = arith.muli %div3A_116, %mul3A_117 : i32
    %get3A_119 = arith.constant 0 : i32
    %get3A_120 = arith.index_cast %get3A_119 : i32 to index
    %get3A_121 = arith.index_cast %rem3A_114 : i32 to index
    %get3A_122 = tpu.vector_load %arg7[%get3A_120, %get3A_121] {strides = array<i32>} : memref<2x128xi32, #tpu.memory_space<vmem>>, vector<16xi32>,
    %add3A_123 = vector.broadcast %mul3A_118 : i32 to vector<16xi32>
    %add3A_124 = arith.addi %add3A_123, %get3A_122 : vector<16xi32>
    %mul3A_125 = arith.constant 200 : i32
    %mul3A_126 = vector.broadcast %mul3A_125 : i32 to vector<16xi32>
    %mul3A_127 = arith.muli %add3A_124, %mul3A_126 : vector<16xi32>
    %get3A_128 = arith.constant 1 : i32
    %get3A_129 = arith.index_cast %get3A_128 : i32 to index
    %get3A_130 = arith.index_cast %rem3A_114 : i32 to index
    %get3A_131 = tpu.vector_load %arg7[%get3A_129, %get3A_130] {strides = array<i32>} : memref<2x128xi32, #tpu.memory_space<vmem>>, vector<16xi32>,
    %add3A_132 = arith.addi %mul3A_127, %get3A_131 : vector<16xi32>
    %dma_start3A_133 = arith.constant 64 : i32
    %dma_start3A_134 = arith.constant 0 : i32
    %dma_start3A_135 = tpu.memref_slice %arg8[%dma_start3A_133, %dma_start3A_134] : memref<256x128xf32, #tpu.memory_space<vmem>> -> memref<16x128xf32, #tpu.memory_space<vmem>>
    %dma_start3A_136 = arith.constant 0 : i32
    %dma_start3A_137 = arith.constant 0 : i32
    %dma_start3A_138 = tpu.memref_slice %arg2[%dma_start3A_136, %dma_start3A_137] : memref<2560000x128xf32, #tpu.memory_space<hbm>> -> memref<2560000x128xf32, #tpu.memory_space<hbm>>
    tpu.enqueue_indirect_dma source(%dma_start3A_138 : memref<2560000x128xf32, #tpu.memory_space<hbm>>) target(%dma_start3A_135 : memref<16x128xf32, #tpu.memory_space<vmem>>) offsets(%add3A_132 : vector<16xi32>) semaphore(%arg10 : memref<!tpu.dma_semaphore, #tpu.memory_space<semaphore_mem>>)
    %add3A_139 = arith.constant 80 : i32
    %add3A_140 = arith.addi %mul3A_2, %add3A_139 : i32
    %rem3A_141 = arith.constant 128 : i32
    %rem3A_142 = arith.remsi %add3A_140, %rem3A_141 : i32
    %div3A_143 = arith.constant 128 : i32
    %div3A_144 = arith.divsi %add3A_140, %div3A_143 : i32
    %mul3A_145 = arith.constant 200 : i32
    %mul3A_146 = arith.muli %div3A_144, %mul3A_145 : i32
    %get3A_147 = arith.constant 0 : i32
    %get3A_148 = arith.index_cast %get3A_147 : i32 to index
    %get3A_149 = arith.index_cast %rem3A_142 : i32 to index
    %get3A_150 = tpu.vector_load %arg7[%get3A_148, %get3A_149] {strides = array<i32>} : memref<2x128xi32, #tpu.memory_space<vmem>>, vector<16xi32>,
    %add3A_151 = vector.broadcast %mul3A_146 : i32 to vector<16xi32>
    %add3A_152 = arith.addi %add3A_151, %get3A_150 : vector<16xi32>
    %mul3A_153 = arith.constant 200 : i32
    %mul3A_154 = vector.broadcast %mul3A_153 : i32 to vector<16xi32>
    %mul3A_155 = arith.muli %add3A_152, %mul3A_154 : vector<16xi32>
    %get3A_156 = arith.constant 1 : i32
    %get3A_157 = arith.index_cast %get3A_156 : i32 to index
    %get3A_158 = arith.index_cast %rem3A_142 : i32 to index
    %get3A_159 = tpu.vector_load %arg7[%get3A_157, %get3A_158] {strides = array<i32>} : memref<2x128xi32, #tpu.memory_space<vmem>>, vector<16xi32>,
    %add3A_160 = arith.addi %mul3A_155, %get3A_159 : vector<16xi32>
    %dma_start3A_161 = arith.constant 80 : i32
    %dma_start3A_162 = arith.constant 0 : i32
    %dma_start3A_163 = tpu.memref_slice %arg8[%dma_start3A_161, %dma_start3A_162] : memref<256x128xf32, #tpu.memory_space<vmem>> -> memref<16x128xf32, #tpu.memory_space<vmem>>
    %dma_start3A_164 = arith.constant 0 : i32
    %dma_start3A_165 = arith.constant 0 : i32
    %dma_start3A_166 = tpu.memref_slice %arg2[%dma_start3A_164, %dma_start3A_165] : memref<2560000x128xf32, #tpu.memory_space<hbm>> -> memref<2560000x128xf32, #tpu.memory_space<hbm>>
    tpu.enqueue_indirect_dma source(%dma_start3A_166 : memref<2560000x128xf32, #tpu.memory_space<hbm>>) target(%dma_start3A_163 : memref<16x128xf32, #tpu.memory_space<vmem>>) offsets(%add3A_160 : vector<16xi32>) semaphore(%arg10 : memref<!tpu.dma_semaphore, #tpu.memory_space<semaphore_mem>>)
    %add3A_167 = arith.constant 96 : i32
    %add3A_168 = arith.addi %mul3A_2, %add3A_167 : i32
    %rem3A_169 = arith.constant 128 : i32
    %rem3A_170 = arith.remsi %add3A_168, %rem3A_169 : i32
    %div3A_171 = arith.constant 128 : i32
    %div3A_172 = arith.divsi %add3A_168, %div3A_171 : i32
    %mul3A_173 = arith.constant 200 : i32
    %mul3A_174 = arith.muli %div3A_172, %mul3A_173 : i32
    %get3A_175 = arith.constant 0 : i32
    %get3A_176 = arith.index_cast %get3A_175 : i32 to index
    %get3A_177 = arith.index_cast %rem3A_170 : i32 to index
    %get3A_178 = tpu.vector_load %arg7[%get3A_176, %get3A_177] {strides = array<i32>} : memref<2x128xi32, #tpu.memory_space<vmem>>, vector<16xi32>,
    %add3A_179 = vector.broadcast %mul3A_174 : i32 to vector<16xi32>
    %add3A_180 = arith.addi %add3A_179, %get3A_178 : vector<16xi32>
    %mul3A_181 = arith.constant 200 : i32
    %mul3A_182 = vector.broadcast %mul3A_181 : i32 to vector<16xi32>
    %mul3A_183 = arith.muli %add3A_180, %mul3A_182 : vector<16xi32>
    %get3A_184 = arith.constant 1 : i32
    %get3A_185 = arith.index_cast %get3A_184 : i32 to index
    %get3A_186 = arith.index_cast %rem3A_170 : i32 to index
    %get3A_187 = tpu.vector_load %arg7[%get3A_185, %get3A_186] {strides = array<i32>} : memref<2x128xi32, #tpu.memory_space<vmem>>, vector<16xi32>,
    %add3A_188 = arith.addi %mul3A_183, %get3A_187 : vector<16xi32>
    %dma_start3A_189 = arith.constant 96 : i32
    %dma_start3A_190 = arith.constant 0 : i32
    %dma_start3A_191 = tpu.memref_slice %arg8[%dma_start3A_189, %dma_start3A_190] : memref<256x128xf32, #tpu.memory_space<vmem>> -> memref<16x128xf32, #tpu.memory_space<vmem>>
    %dma_start3A_192 = arith.constant 0 : i32
    %dma_start3A_193 = arith.constant 0 : i32
    %dma_start3A_194 = tpu.memref_slice %arg2[%dma_start3A_192, %dma_start3A_193] : memref<2560000x128xf32, #tpu.memory_space<hbm>> -> memref<2560000x128xf32, #tpu.memory_space<hbm>>
    tpu.enqueue_indirect_dma source(%dma_start3A_194 : memref<2560000x128xf32, #tpu.memory_space<hbm>>) target(%dma_start3A_191 : memref<16x128xf32, #tpu.memory_space<vmem>>) offsets(%add3A_188 : vector<16xi32>) semaphore(%arg10 : memref<!tpu.dma_semaphore, #tpu.memory_space<semaphore_mem>>)
    %add3A_195 = arith.constant 112 : i32
    %add3A_196 = arith.addi %mul3A_2, %add3A_195 : i32
    %rem3A_197 = arith.constant 128 : i32
    %rem3A_198 = arith.remsi %add3A_196, %rem3A_197 : i32
    %div3A_199 = arith.constant 128 : i32
    %div3A_200 = arith.divsi %add3A_196, %div3A_199 : i32
    %mul3A_201 = arith.constant 200 : i32
    %mul3A_202 = arith.muli %div3A_200, %mul3A_201 : i32
    %get3A_203 = arith.constant 0 : i32
    %get3A_204 = arith.index_cast %get3A_203 : i32 to index
    %get3A_205 = arith.index_cast %rem3A_198 : i32 to index
    %get3A_206 = tpu.vector_load %arg7[%get3A_204, %get3A_205] {strides = array<i32>} : memref<2x128xi32, #tpu.memory_space<vmem>>, vector<16xi32>,
    %add3A_207 = vector.broadcast %mul3A_202 : i32 to vector<16xi32>
    %add3A_208 = arith.addi %add3A_207, %get3A_206 : vector<16xi32>
    %mul3A_209 = arith.constant 200 : i32
    %mul3A_210 = vector.broadcast %mul3A_209 : i32 to vector<16xi32>
    %mul3A_211 = arith.muli %add3A_208, %mul3A_210 : vector<16xi32>
    %get3A_212 = arith.constant 1 : i32
    %get3A_213 = arith.index_cast %get3A_212 : i32 to index
    %get3A_214 = arith.index_cast %rem3A_198 : i32 to index
    %get3A_215 = tpu.vector_load %arg7[%get3A_213, %get3A_214] {strides = array<i32>} : memref<2x128xi32, #tpu.memory_space<vmem>>, vector<16xi32>,
    %add3A_216 = arith.addi %mul3A_211, %get3A_215 : vector<16xi32>
    %dma_start3A_217 = arith.constant 112 : i32
    %dma_start3A_218 = arith.constant 0 : i32
    %dma_start3A_219 = tpu.memref_slice %arg8[%dma_start3A_217, %dma_start3A_218] : memref<256x128xf32, #tpu.memory_space<vmem>> -> memref<16x128xf32, #tpu.memory_space<vmem>>
    %dma_start3A_220 = arith.constant 0 : i32
    %dma_start3A_221 = arith.constant 0 : i32
    %dma_start3A_222 = tpu.memref_slice %arg2[%dma_start3A_220, %dma_start3A_221] : memref<2560000x128xf32, #tpu.memory_space<hbm>> -> memref<2560000x128xf32, #tpu.memory_space<hbm>>
    tpu.enqueue_indirect_dma source(%dma_start3A_222 : memref<2560000x128xf32, #tpu.memory_space<hbm>>) target(%dma_start3A_219 : memref<16x128xf32, #tpu.memory_space<vmem>>) offsets(%add3A_216 : vector<16xi32>) semaphore(%arg10 : memref<!tpu.dma_semaphore, #tpu.memory_space<semaphore_mem>>)
    %add3A_223 = arith.constant 128 : i32
    %add3A_224 = arith.addi %mul3A_2, %add3A_223 : i32
    %rem3A_225 = arith.constant 128 : i32
    %rem3A_226 = arith.remsi %add3A_224, %rem3A_225 : i32
    %div3A_227 = arith.constant 128 : i32
    %div3A_228 = arith.divsi %add3A_224, %div3A_227 : i32
    %mul3A_229 = arith.constant 200 : i32
    %mul3A_230 = arith.muli %div3A_228, %mul3A_229 : i32
    %get3A_231 = arith.constant 0 : i32
    %get3A_232 = arith.index_cast %get3A_231 : i32 to index
    %get3A_233 = arith.index_cast %rem3A_226 : i32 to index
    %get3A_234 = tpu.vector_load %arg7[%get3A_232, %get3A_233] {strides = array<i32>} : memref<2x128xi32, #tpu.memory_space<vmem>>, vector<16xi32>,
    %add3A_235 = vector.broadcast %mul3A_230 : i32 to vector<16xi32>
    %add3A_236 = arith.addi %add3A_235, %get3A_234 : vector<16xi32>
    %mul3A_237 = arith.constant 200 : i32
    %mul3A_238 = vector.broadcast %mul3A_237 : i32 to vector<16xi32>
    %mul3A_239 = arith.muli %add3A_236, %mul3A_238 : vector<16xi32>
    %get3A_240 = arith.constant 1 : i32
    %get3A_241 = arith.index_cast %get3A_240 : i32 to index
    %get3A_242 = arith.index_cast %rem3A_226 : i32 to index
    %get3A_243 = tpu.vector_load %arg7[%get3A_241, %get3A_242] {strides = array<i32>} : memref<2x128xi32, #tpu.memory_space<vmem>>, vector<16xi32>,
    %add3A_244 = arith.addi %mul3A_239, %get3A_243 : vector<16xi32>
    %dma_start3A_245 = arith.constant 128 : i32
    %dma_start3A_246 = arith.constant 0 : i32
    %dma_start3A_247 = tpu.memref_slice %arg8[%dma_start3A_245, %dma_start3A_246] : memref<256x128xf32, #tpu.memory_space<vmem>> -> memref<16x128xf32, #tpu.memory_space<vmem>>
    %dma_start3A_248 = arith.constant 0 : i32
    %dma_start3A_249 = arith.constant 0 : i32
    %dma_start3A_250 = tpu.memref_slice %arg2[%dma_start3A_248, %dma_start3A_249] : memref<2560000x128xf32, #tpu.memory_space<hbm>> -> memref<2560000x128xf32, #tpu.memory_space<hbm>>
    tpu.enqueue_indirect_dma source(%dma_start3A_250 : memref<2560000x128xf32, #tpu.memory_space<hbm>>) target(%dma_start3A_247 : memref<16x128xf32, #tpu.memory_space<vmem>>) offsets(%add3A_244 : vector<16xi32>) semaphore(%arg10 : memref<!tpu.dma_semaphore, #tpu.memory_space<semaphore_mem>>)
    %add3A_251 = arith.constant 144 : i32
    %add3A_252 = arith.addi %mul3A_2, %add3A_251 : i32
    %rem3A_253 = arith.constant 128 : i32
    %rem3A_254 = arith.remsi %add3A_252, %rem3A_253 : i32
    %div3A_255 = arith.constant 128 : i32
    %div3A_256 = arith.divsi %add3A_252, %div3A_255 : i32
    %mul3A_257 = arith.constant 200 : i32
    %mul3A_258 = arith.muli %div3A_256, %mul3A_257 : i32
    %get3A_259 = arith.constant 0 : i32
    %get3A_260 = arith.index_cast %get3A_259 : i32 to index
    %get3A_261 = arith.index_cast %rem3A_254 : i32 to index
    %get3A_262 = tpu.vector_load %arg7[%get3A_260, %get3A_261] {strides = array<i32>} : memref<2x128xi32, #tpu.memory_space<vmem>>, vector<16xi32>,
    %add3A_263 = vector.broadcast %mul3A_258 : i32 to vector<16xi32>
    %add3A_264 = arith.addi %add3A_263, %get3A_262 : vector<16xi32>
    %mul3A_265 = arith.constant 200 : i32
    %mul3A_266 = vector.broadcast %mul3A_265 : i32 to vector<16xi32>
    %mul3A_267 = arith.muli %add3A_264, %mul3A_266 : vector<16xi32>
    %get3A_268 = arith.constant 1 : i32
    %get3A_269 = arith.index_cast %get3A_268 : i32 to index
    %get3A_270 = arith.index_cast %rem3A_254 : i32 to index
    %get3A_271 = tpu.vector_load %arg7[%get3A_269, %get3A_270] {strides = array<i32>} : memref<2x128xi32, #tpu.memory_space<vmem>>, vector<16xi32>,
    %add3A_272 = arith.addi %mul3A_267, %get3A_271 : vector<16xi32>
    %dma_start3A_273 = arith.constant 144 : i32
    %dma_start3A_274 = arith.constant 0 : i32
    %dma_start3A_275 = tpu.memref_slice %arg8[%dma_start3A_273, %dma_start3A_274] : memref<256x128xf32, #tpu.memory_space<vmem>> -> memref<16x128xf32, #tpu.memory_space<vmem>>
    %dma_start3A_276 = arith.constant 0 : i32
    %dma_start3A_277 = arith.constant 0 : i32
    %dma_start3A_278 = tpu.memref_slice %arg2[%dma_start3A_276, %dma_start3A_277] : memref<2560000x128xf32, #tpu.memory_space<hbm>> -> memref<2560000x128xf32, #tpu.memory_space<hbm>>
    tpu.enqueue_indirect_dma source(%dma_start3A_278 : memref<2560000x128xf32, #tpu.memory_space<hbm>>) target(%dma_start3A_275 : memref<16x128xf32, #tpu.memory_space<vmem>>) offsets(%add3A_272 : vector<16xi32>) semaphore(%arg10 : memref<!tpu.dma_semaphore, #tpu.memory_space<semaphore_mem>>)
    %add3A_279 = arith.constant 160 : i32
    %add3A_280 = arith.addi %mul3A_2, %add3A_279 : i32
    %rem3A_281 = arith.constant 128 : i32
    %rem3A_282 = arith.remsi %add3A_280, %rem3A_281 : i32
    %div3A_283 = arith.constant 128 : i32
    %div3A_284 = arith.divsi %add3A_280, %div3A_283 : i32
    %mul3A_285 = arith.constant 200 : i32
    %mul3A_286 = arith.muli %div3A_284, %mul3A_285 : i32
    %get3A_287 = arith.constant 0 : i32
    %get3A_288 = arith.index_cast %get3A_287 : i32 to index
    %get3A_289 = arith.index_cast %rem3A_282 : i32 to index
    %get3A_290 = tpu.vector_load %arg7[%get3A_288, %get3A_289] {strides = array<i32>} : memref<2x128xi32, #tpu.memory_space<vmem>>, vector<16xi32>,
    %add3A_291 = vector.broadcast %mul3A_286 : i32 to vector<16xi32>
    %add3A_292 = arith.addi %add3A_291, %get3A_290 : vector<16xi32>
    %mul3A_293 = arith.constant 200 : i32
    %mul3A_294 = vector.broadcast %mul3A_293 : i32 to vector<16xi32>
    %mul3A_295 = arith.muli %add3A_292, %mul3A_294 : vector<16xi32>
    %get3A_296 = arith.constant 1 : i32
    %get3A_297 = arith.index_cast %get3A_296 : i32 to index
    %get3A_298 = arith.index_cast %rem3A_282 : i32 to index
    %get3A_299 = tpu.vector_load %arg7[%get3A_297, %get3A_298] {strides = array<i32>} : memref<2x128xi32, #tpu.memory_space<vmem>>, vector<16xi32>,
    %add3A_300 = arith.addi %mul3A_295, %get3A_299 : vector<16xi32>
    %dma_start3A_301 = arith.constant 160 : i32
    %dma_start3A_302 = arith.constant 0 : i32
    %dma_start3A_303 = tpu.memref_slice %arg8[%dma_start3A_301, %dma_start3A_302] : memref<256x128xf32, #tpu.memory_space<vmem>> -> memref<16x128xf32, #tpu.memory_space<vmem>>
    %dma_start3A_304 = arith.constant 0 : i32
    %dma_start3A_305 = arith.constant 0 : i32
    %dma_start3A_306 = tpu.memref_slice %arg2[%dma_start3A_304, %dma_start3A_305] : memref<2560000x128xf32, #tpu.memory_space<hbm>> -> memref<2560000x128xf32, #tpu.memory_space<hbm>>
    tpu.enqueue_indirect_dma source(%dma_start3A_306 : memref<2560000x128xf32, #tpu.memory_space<hbm>>) target(%dma_start3A_303 : memref<16x128xf32, #tpu.memory_space<vmem>>) offsets(%add3A_300 : vector<16xi32>) semaphore(%arg10 : memref<!tpu.dma_semaphore, #tpu.memory_space<semaphore_mem>>)
    %add3A_307 = arith.constant 176 : i32
    %add3A_308 = arith.addi %mul3A_2, %add3A_307 : i32
    %rem3A_309 = arith.constant 128 : i32
    %rem3A_310 = arith.remsi %add3A_308, %rem3A_309 : i32
    %div3A_311 = arith.constant 128 : i32
    %div3A_312 = arith.divsi %add3A_308, %div3A_311 : i32
    %mul3A_313 = arith.constant 200 : i32
    %mul3A_314 = arith.muli %div3A_312, %mul3A_313 : i32
    %get3A_315 = arith.constant 0 : i32
    %get3A_316 = arith.index_cast %get3A_315 : i32 to index
    %get3A_317 = arith.index_cast %rem3A_310 : i32 to index
    %get3A_318 = tpu.vector_load %arg7[%get3A_316, %get3A_317] {strides = array<i32>} : memref<2x128xi32, #tpu.memory_space<vmem>>, vector<16xi32>,
    %add3A_319 = vector.broadcast %mul3A_314 : i32 to vector<16xi32>
    %add3A_320 = arith.addi %add3A_319, %get3A_318 : vector<16xi32>
    %mul3A_321 = arith.constant 200 : i32
    %mul3A_322 = vector.broadcast %mul3A_321 : i32 to vector<16xi32>
    %mul3A_323 = arith.muli %add3A_320, %mul3A_322 : vector<16xi32>
    %get3A_324 = arith.constant 1 : i32
    %get3A_325 = arith.index_cast %get3A_324 : i32 to index
    %get3A_326 = arith.index_cast %rem3A_310 : i32 to index
    %get3A_327 = tpu.vector_load %arg7[%get3A_325, %get3A_326] {strides = array<i32>} : memref<2x128xi32, #tpu.memory_space<vmem>>, vector<16xi32>,
    %add3A_328 = arith.addi %mul3A_323, %get3A_327 : vector<16xi32>
    %dma_start3A_329 = arith.constant 176 : i32
    %dma_start3A_330 = arith.constant 0 : i32
    %dma_start3A_331 = tpu.memref_slice %arg8[%dma_start3A_329, %dma_start3A_330] : memref<256x128xf32, #tpu.memory_space<vmem>> -> memref<16x128xf32, #tpu.memory_space<vmem>>
    %dma_start3A_332 = arith.constant 0 : i32
    %dma_start3A_333 = arith.constant 0 : i32
    %dma_start3A_334 = tpu.memref_slice %arg2[%dma_start3A_332, %dma_start3A_333] : memref<2560000x128xf32, #tpu.memory_space<hbm>> -> memref<2560000x128xf32, #tpu.memory_space<hbm>>
    tpu.enqueue_indirect_dma source(%dma_start3A_334 : memref<2560000x128xf32, #tpu.memory_space<hbm>>) target(%dma_start3A_331 : memref<16x128xf32, #tpu.memory_space<vmem>>) offsets(%add3A_328 : vector<16xi32>) semaphore(%arg10 : memref<!tpu.dma_semaphore, #tpu.memory_space<semaphore_mem>>)
    %add3A_335 = arith.constant 192 : i32
    %add3A_336 = arith.addi %mul3A_2, %add3A_335 : i32
    %rem3A_337 = arith.constant 128 : i32
    %rem3A_338 = arith.remsi %add3A_336, %rem3A_337 : i32
    %div3A_339 = arith.constant 128 : i32
    %div3A_340 = arith.divsi %add3A_336, %div3A_339 : i32
    %mul3A_341 = arith.constant 200 : i32
    %mul3A_342 = arith.muli %div3A_340, %mul3A_341 : i32
    %get3A_343 = arith.constant 0 : i32
    %get3A_344 = arith.index_cast %get3A_343 : i32 to index
    %get3A_345 = arith.index_cast %rem3A_338 : i32 to index
    %get3A_346 = tpu.vector_load %arg7[%get3A_344, %get3A_345] {strides = array<i32>} : memref<2x128xi32, #tpu.memory_space<vmem>>, vector<16xi32>,
    %add3A_347 = vector.broadcast %mul3A_342 : i32 to vector<16xi32>
    %add3A_348 = arith.addi %add3A_347, %get3A_346 : vector<16xi32>
    %mul3A_349 = arith.constant 200 : i32
    %mul3A_350 = vector.broadcast %mul3A_349 : i32 to vector<16xi32>
    %mul3A_351 = arith.muli %add3A_348, %mul3A_350 : vector<16xi32>
    %get3A_352 = arith.constant 1 : i32
    %get3A_353 = arith.index_cast %get3A_352 : i32 to index
    %get3A_354 = arith.index_cast %rem3A_338 : i32 to index
    %get3A_355 = tpu.vector_load %arg7[%get3A_353, %get3A_354] {strides = array<i32>} : memref<2x128xi32, #tpu.memory_space<vmem>>, vector<16xi32>,
    %add3A_356 = arith.addi %mul3A_351, %get3A_355 : vector<16xi32>
    %dma_start3A_357 = arith.constant 192 : i32
    %dma_start3A_358 = arith.constant 0 : i32
    %dma_start3A_359 = tpu.memref_slice %arg8[%dma_start3A_357, %dma_start3A_358] : memref<256x128xf32, #tpu.memory_space<vmem>> -> memref<16x128xf32, #tpu.memory_space<vmem>>
    %dma_start3A_360 = arith.constant 0 : i32
    %dma_start3A_361 = arith.constant 0 : i32
    %dma_start3A_362 = tpu.memref_slice %arg2[%dma_start3A_360, %dma_start3A_361] : memref<2560000x128xf32, #tpu.memory_space<hbm>> -> memref<2560000x128xf32, #tpu.memory_space<hbm>>
    tpu.enqueue_indirect_dma source(%dma_start3A_362 : memref<2560000x128xf32, #tpu.memory_space<hbm>>) target(%dma_start3A_359 : memref<16x128xf32, #tpu.memory_space<vmem>>) offsets(%add3A_356 : vector<16xi32>) semaphore(%arg10 : memref<!tpu.dma_semaphore, #tpu.memory_space<semaphore_mem>>)
    %add3A_363 = arith.constant 208 : i32
    %add3A_364 = arith.addi %mul3A_2, %add3A_363 : i32
    %rem3A_365 = arith.constant 128 : i32
    %rem3A_366 = arith.remsi %add3A_364, %rem3A_365 : i32
    %div3A_367 = arith.constant 128 : i32
    %div3A_368 = arith.divsi %add3A_364, %div3A_367 : i32
    %mul3A_369 = arith.constant 200 : i32
    %mul3A_370 = arith.muli %div3A_368, %mul3A_369 : i32
    %get3A_371 = arith.constant 0 : i32
    %get3A_372 = arith.index_cast %get3A_371 : i32 to index
    %get3A_373 = arith.index_cast %rem3A_366 : i32 to index
    %get3A_374 = tpu.vector_load %arg7[%get3A_372, %get3A_373] {strides = array<i32>} : memref<2x128xi32, #tpu.memory_space<vmem>>, vector<16xi32>,
    %add3A_375 = vector.broadcast %mul3A_370 : i32 to vector<16xi32>
    %add3A_376 = arith.addi %add3A_375, %get3A_374 : vector<16xi32>
    %mul3A_377 = arith.constant 200 : i32
    %mul3A_378 = vector.broadcast %mul3A_377 : i32 to vector<16xi32>
    %mul3A_379 = arith.muli %add3A_376, %mul3A_378 : vector<16xi32>
    %get3A_380 = arith.constant 1 : i32
    %get3A_381 = arith.index_cast %get3A_380 : i32 to index
    %get3A_382 = arith.index_cast %rem3A_366 : i32 to index
    %get3A_383 = tpu.vector_load %arg7[%get3A_381, %get3A_382] {strides = array<i32>} : memref<2x128xi32, #tpu.memory_space<vmem>>, vector<16xi32>,
    %add3A_384 = arith.addi %mul3A_379, %get3A_383 : vector<16xi32>
    %dma_start3A_385 = arith.constant 208 : i32
    %dma_start3A_386 = arith.constant 0 : i32
    %dma_start3A_387 = tpu.memref_slice %arg8[%dma_start3A_385, %dma_start3A_386] : memref<256x128xf32, #tpu.memory_space<vmem>> -> memref<16x128xf32, #tpu.memory_space<vmem>>
    %dma_start3A_388 = arith.constant 0 : i32
    %dma_start3A_389 = arith.constant 0 : i32
    %dma_start3A_390 = tpu.memref_slice %arg2[%dma_start3A_388, %dma_start3A_389] : memref<2560000x128xf32, #tpu.memory_space<hbm>> -> memref<2560000x128xf32, #tpu.memory_space<hbm>>
    tpu.enqueue_indirect_dma source(%dma_start3A_390 : memref<2560000x128xf32, #tpu.memory_space<hbm>>) target(%dma_start3A_387 : memref<16x128xf32, #tpu.memory_space<vmem>>) offsets(%add3A_384 : vector<16xi32>) semaphore(%arg10 : memref<!tpu.dma_semaphore, #tpu.memory_space<semaphore_mem>>)
    %add3A_391 = arith.constant 224 : i32
    %add3A_392 = arith.addi %mul3A_2, %add3A_391 : i32
    %rem3A_393 = arith.constant 128 : i32
    %rem3A_394 = arith.remsi %add3A_392, %rem3A_393 : i32
    %div3A_395 = arith.constant 128 : i32
    %div3A_396 = arith.divsi %add3A_392, %div3A_395 : i32
    %mul3A_397 = arith.constant 200 : i32
    %mul3A_398 = arith.muli %div3A_396, %mul3A_397 : i32
    %get3A_399 = arith.constant 0 : i32
    %get3A_400 = arith.index_cast %get3A_399 : i32 to index
    %get3A_401 = arith.index_cast %rem3A_394 : i32 to index
    %get3A_402 = tpu.vector_load %arg7[%get3A_400, %get3A_401] {strides = array<i32>} : memref<2x128xi32, #tpu.memory_space<vmem>>, vector<16xi32>,
    %add3A_403 = vector.broadcast %mul3A_398 : i32 to vector<16xi32>
    %add3A_404 = arith.addi %add3A_403, %get3A_402 : vector<16xi32>
    %mul3A_405 = arith.constant 200 : i32
    %mul3A_406 = vector.broadcast %mul3A_405 : i32 to vector<16xi32>
    %mul3A_407 = arith.muli %add3A_404, %mul3A_406 : vector<16xi32>
    %get3A_408 = arith.constant 1 : i32
    %get3A_409 = arith.index_cast %get3A_408 : i32 to index
    %get3A_410 = arith.index_cast %rem3A_394 : i32 to index
    %get3A_411 = tpu.vector_load %arg7[%get3A_409, %get3A_410] {strides = array<i32>} : memref<2x128xi32, #tpu.memory_space<vmem>>, vector<16xi32>,
    %add3A_412 = arith.addi %mul3A_407, %get3A_411 : vector<16xi32>
    %dma_start3A_413 = arith.constant 224 : i32
    %dma_start3A_414 = arith.constant 0 : i32
    %dma_start3A_415 = tpu.memref_slice %arg8[%dma_start3A_413, %dma_start3A_414] : memref<256x128xf32, #tpu.memory_space<vmem>> -> memref<16x128xf32, #tpu.memory_space<vmem>>
    %dma_start3A_416 = arith.constant 0 : i32
    %dma_start3A_417 = arith.constant 0 : i32
    %dma_start3A_418 = tpu.memref_slice %arg2[%dma_start3A_416, %dma_start3A_417] : memref<2560000x128xf32, #tpu.memory_space<hbm>> -> memref<2560000x128xf32, #tpu.memory_space<hbm>>
    tpu.enqueue_indirect_dma source(%dma_start3A_418 : memref<2560000x128xf32, #tpu.memory_space<hbm>>) target(%dma_start3A_415 : memref<16x128xf32, #tpu.memory_space<vmem>>) offsets(%add3A_412 : vector<16xi32>) semaphore(%arg10 : memref<!tpu.dma_semaphore, #tpu.memory_space<semaphore_mem>>)
    %add3A_419 = arith.constant 240 : i32
    %add3A_420 = arith.addi %mul3A_2, %add3A_419 : i32
    %rem3A_421 = arith.constant 128 : i32
    %rem3A_422 = arith.remsi %add3A_420, %rem3A_421 : i32
    %div3A_423 = arith.constant 128 : i32
    %div3A_424 = arith.divsi %add3A_420, %div3A_423 : i32
    %mul3A_425 = arith.constant 200 : i32
    %mul3A_426 = arith.muli %div3A_424, %mul3A_425 : i32
    %get3A_427 = arith.constant 0 : i32
    %get3A_428 = arith.index_cast %get3A_427 : i32 to index
    %get3A_429 = arith.index_cast %rem3A_422 : i32 to index
    %get3A_430 = tpu.vector_load %arg7[%get3A_428, %get3A_429] {strides = array<i32>} : memref<2x128xi32, #tpu.memory_space<vmem>>, vector<16xi32>,
    %add3A_431 = vector.broadcast %mul3A_426 : i32 to vector<16xi32>
    %add3A_432 = arith.addi %add3A_431, %get3A_430 : vector<16xi32>
    %mul3A_433 = arith.constant 200 : i32
    %mul3A_434 = vector.broadcast %mul3A_433 : i32 to vector<16xi32>
    %mul3A_435 = arith.muli %add3A_432, %mul3A_434 : vector<16xi32>
    %get3A_436 = arith.constant 1 : i32
    %get3A_437 = arith.index_cast %get3A_436 : i32 to index
    %get3A_438 = arith.index_cast %rem3A_422 : i32 to index
    %get3A_439 = tpu.vector_load %arg7[%get3A_437, %get3A_438] {strides = array<i32>} : memref<2x128xi32, #tpu.memory_space<vmem>>, vector<16xi32>,
    %add3A_440 = arith.addi %mul3A_435, %get3A_439 : vector<16xi32>
    %dma_start3A_441 = arith.constant 240 : i32
    %dma_start3A_442 = arith.constant 0 : i32
    %dma_start3A_443 = tpu.memref_slice %arg8[%dma_start3A_441, %dma_start3A_442] : memref<256x128xf32, #tpu.memory_space<vmem>> -> memref<16x128xf32, #tpu.memory_space<vmem>>
    %dma_start3A_444 = arith.constant 0 : i32
    %dma_start3A_445 = arith.constant 0 : i32
    %dma_start3A_446 = tpu.memref_slice %arg2[%dma_start3A_444, %dma_start3A_445] : memref<2560000x128xf32, #tpu.memory_space<hbm>> -> memref<2560000x128xf32, #tpu.memory_space<hbm>>
    tpu.enqueue_indirect_dma source(%dma_start3A_446 : memref<2560000x128xf32, #tpu.memory_space<hbm>>) target(%dma_start3A_443 : memref<16x128xf32, #tpu.memory_space<vmem>>) offsets(%add3A_440 : vector<16xi32>) semaphore(%arg10 : memref<!tpu.dma_semaphore, #tpu.memory_space<semaphore_mem>>)
    tpu.wait_dma2 semaphore(%arg11 : memref<!tpu.dma_semaphore, #tpu.memory_space<semaphore_mem>>) src(%arg3 : memref<128xi32, #tpu.memory_space<hbm>>) dst(%arg6 : memref<128xi32, #tpu.memory_space<vmem>>)
    %dma_wait3A = arith.constant 0 : i32
    %dma_wait3A_447 = arith.constant 0 : i32
    %dma_wait3A_448 = tpu.memref_slice %arg8[%dma_wait3A, %dma_wait3A_447] : memref<256x128xf32, #tpu.memory_space<vmem>> -> memref<16x128xf32, #tpu.memory_space<vmem>>
    %dma_wait3A_449 = arith.constant 0 : i32
    %dma_wait3A_450 = arith.constant 0 : i32
    %dma_wait3A_451 = tpu.memref_slice %arg2[%dma_wait3A_449, %dma_wait3A_450] : memref<2560000x128xf32, #tpu.memory_space<hbm>> -> memref<2560000x128xf32, #tpu.memory_space<hbm>>
    tpu.wait_indirect_dma semaphore(%arg10 : memref<!tpu.dma_semaphore, #tpu.memory_space<semaphore_mem>>) src(%dma_wait3A_451 : memref<2560000x128xf32, #tpu.memory_space<hbm>>) dst(%dma_wait3A_448 : memref<16x128xf32, #tpu.memory_space<vmem>>)
    %add3A_452 = arith.constant 0 : i32
    %add3A_453 = arith.addi %mul3A_2, %add3A_452 : i32
    %rem3A_454 = arith.constant 128 : i32
    %rem3A_455 = arith.remsi %add3A_453, %rem3A_454 : i32
    %iota3A = tpu.iota {dimensions = array<i32: 0>} : vector<16xi32>
    %add3A_456 = arith.constant 0 : i32
    %add3A_457 = vector.broadcast %add3A_456 : i32 to vector<16xi32>
    %add3A_458 = arith.addi %add3A_457, %iota3A : vector<16xi32>
    %get3A_459 = arith.index_cast %rem3A_455 : i32 to index
    %get3A_460 = tpu.vector_load %arg6[%get3A_459] {strides = array<i32>} : memref<128xi32, #tpu.memory_space<vmem>>, vector<16xi32>,
    %gather3A = tpu.vector_load_idx %arg8[%add3A_458, %get3A_460] : memref<256x128xf32, #tpu.memory_space<vmem>>[vector<16xi32>, vector<16xi32>], vector<16xf32>,
    %swap3A = arith.constant 0 : index
    %swap3A_461 = tpu.vector_load %arg9[%swap3A] {strides = array<i32>} : memref<256xf32, #tpu.memory_space<vmem>>, vector<16xf32>,
    tpu.vector_store %arg9[%swap3A], %gather3A {strides = array<i32>} : memref<256xf32, #tpu.memory_space<vmem>>, vector<16xf32>,
    %add3A_462 = arith.constant 0 : i32
    %add3A_463 = arith.addi %mul3A_2, %add3A_462 : i32
    %dma_start3A_464 = arith.constant 0 : i32
    %dma_start3A_465 = tpu.memref_slice %arg9[%dma_start3A_464] : memref<256xf32, #tpu.memory_space<vmem>> -> memref<16xf32, #tpu.memory_space<vmem>>
    %dma_start3A_466 = tpu.memref_slice %arg5[%add3A_463] : memref<8192xf32, #tpu.memory_space<hbm>> -> memref<16xf32, #tpu.memory_space<hbm>>
    %dma_start3A_467 = tpu.memref_slice %arg5[%add3A_463] : memref<8192xf32, #tpu.memory_space<hbm>> -> memref<16xf32, #tpu.memory_space<hbm>>
    %dma_start3A_468 = arith.constant 0 : i32
    %dma_start3A_469 = tpu.memref_slice %arg9[%dma_start3A_468] : memref<256xf32, #tpu.memory_space<vmem>> -> memref<16xf32, #tpu.memory_space<vmem>>
    tpu.enqueue_dma source(%dma_start3A_469 : memref<16xf32, #tpu.memory_space<vmem>>) target(%dma_start3A_467 : memref<16xf32, #tpu.memory_space<hbm>>) target_semaphore(%arg11 : memref<!tpu.dma_semaphore, #tpu.memory_space<semaphore_mem>>)
    %dma_wait3A_470 = arith.constant 16 : i32
    %dma_wait3A_471 = arith.constant 0 : i32
    %dma_wait3A_472 = tpu.memref_slice %arg8[%dma_wait3A_470, %dma_wait3A_471] : memref<256x128xf32, #tpu.memory_space<vmem>> -> memref<16x128xf32, #tpu.memory_space<vmem>>
    %dma_wait3A_473 = arith.constant 0 : i32
    %dma_wait3A_474 = arith.constant 0 : i32
    %dma_wait3A_475 = tpu.memref_slice %arg2[%dma_wait3A_473, %dma_wait3A_474] : memref<2560000x128xf32, #tpu.memory_space<hbm>> -> memref<2560000x128xf32, #tpu.memory_space<hbm>>
    tpu.wait_indirect_dma semaphore(%arg10 : memref<!tpu.dma_semaphore, #tpu.memory_space<semaphore_mem>>) src(%dma_wait3A_475 : memref<2560000x128xf32, #tpu.memory_space<hbm>>) dst(%dma_wait3A_472 : memref<16x128xf32, #tpu.memory_space<vmem>>)
    %add3A_476 = arith.constant 16 : i32
    %add3A_477 = arith.addi %mul3A_2, %add3A_476 : i32
    %rem3A_478 = arith.constant 128 : i32
    %rem3A_479 = arith.remsi %add3A_477, %rem3A_478 : i32
    %iota3A_480 = tpu.iota {dimensions = array<i32: 0>} : vector<16xi32>
    %add3A_481 = arith.constant 16 : i32
    %add3A_482 = vector.broadcast %add3A_481 : i32 to vector<16xi32>
    %add3A_483 = arith.addi %add3A_482, %iota3A_480 : vector<16xi32>
    %get3A_484 = arith.index_cast %rem3A_479 : i32 to index
    %get3A_485 = tpu.vector_load %arg6[%get3A_484] {strides = array<i32>} : memref<128xi32, #tpu.memory_space<vmem>>, vector<16xi32>,
    %gather3A_486 = tpu.vector_load_idx %arg8[%add3A_483, %get3A_485] : memref<256x128xf32, #tpu.memory_space<vmem>>[vector<16xi32>, vector<16xi32>], vector<16xf32>,
    %swap3A_487 = arith.constant 16 : index
    %swap3A_488 = tpu.vector_load %arg9[%swap3A_487] {strides = array<i32>} : memref<256xf32, #tpu.memory_space<vmem>>, vector<16xf32>,
    tpu.vector_store %arg9[%swap3A_487], %gather3A_486 {strides = array<i32>} : memref<256xf32, #tpu.memory_space<vmem>>, vector<16xf32>,
    %add3A_489 = arith.constant 16 : i32
    %add3A_490 = arith.addi %mul3A_2, %add3A_489 : i32
    %dma_start3A_491 = arith.constant 16 : i32
    %dma_start3A_492 = tpu.memref_slice %arg9[%dma_start3A_491] : memref<256xf32, #tpu.memory_space<vmem>> -> memref<16xf32, #tpu.memory_space<vmem>>
    %dma_start3A_493 = tpu.memref_slice %arg5[%add3A_490] : memref<8192xf32, #tpu.memory_space<hbm>> -> memref<16xf32, #tpu.memory_space<hbm>>
    %dma_start3A_494 = tpu.memref_slice %arg5[%add3A_490] : memref<8192xf32, #tpu.memory_space<hbm>> -> memref<16xf32, #tpu.memory_space<hbm>>
    %dma_start3A_495 = arith.constant 16 : i32
    %dma_start3A_496 = tpu.memref_slice %arg9[%dma_start3A_495] : memref<256xf32, #tpu.memory_space<vmem>> -> memref<16xf32, #tpu.memory_space<vmem>>
    tpu.enqueue_dma source(%dma_start3A_496 : memref<16xf32, #tpu.memory_space<vmem>>) target(%dma_start3A_494 : memref<16xf32, #tpu.memory_space<hbm>>) target_semaphore(%arg11 : memref<!tpu.dma_semaphore, #tpu.memory_space<semaphore_mem>>)
    %dma_wait3A_497 = arith.constant 32 : i32
    %dma_wait3A_498 = arith.constant 0 : i32
    %dma_wait3A_499 = tpu.memref_slice %arg8[%dma_wait3A_497, %dma_wait3A_498] : memref<256x128xf32, #tpu.memory_space<vmem>> -> memref<16x128xf32, #tpu.memory_space<vmem>>
    %dma_wait3A_500 = arith.constant 0 : i32
    %dma_wait3A_501 = arith.constant 0 : i32
    %dma_wait3A_502 = tpu.memref_slice %arg2[%dma_wait3A_500, %dma_wait3A_501] : memref<2560000x128xf32, #tpu.memory_space<hbm>> -> memref<2560000x128xf32, #tpu.memory_space<hbm>>
    tpu.wait_indirect_dma semaphore(%arg10 : memref<!tpu.dma_semaphore, #tpu.memory_space<semaphore_mem>>) src(%dma_wait3A_502 : memref<2560000x128xf32, #tpu.memory_space<hbm>>) dst(%dma_wait3A_499 : memref<16x128xf32, #tpu.memory_space<vmem>>)
    %add3A_503 = arith.constant 32 : i32
    %add3A_504 = arith.addi %mul3A_2, %add3A_503 : i32
    %rem3A_505 = arith.constant 128 : i32
    %rem3A_506 = arith.remsi %add3A_504, %rem3A_505 : i32
    %iota3A_507 = tpu.iota {dimensions = array<i32: 0>} : vector<16xi32>
    %add3A_508 = arith.constant 32 : i32
    %add3A_509 = vector.broadcast %add3A_508 : i32 to vector<16xi32>
    %add3A_510 = arith.addi %add3A_509, %iota3A_507 : vector<16xi32>
    %get3A_511 = arith.index_cast %rem3A_506 : i32 to index
    %get3A_512 = tpu.vector_load %arg6[%get3A_511] {strides = array<i32>} : memref<128xi32, #tpu.memory_space<vmem>>, vector<16xi32>,
    %gather3A_513 = tpu.vector_load_idx %arg8[%add3A_510, %get3A_512] : memref<256x128xf32, #tpu.memory_space<vmem>>[vector<16xi32>, vector<16xi32>], vector<16xf32>,
    %swap3A_514 = arith.constant 32 : index
    %swap3A_515 = tpu.vector_load %arg9[%swap3A_514] {strides = array<i32>} : memref<256xf32, #tpu.memory_space<vmem>>, vector<16xf32>,
    tpu.vector_store %arg9[%swap3A_514], %gather3A_513 {strides = array<i32>} : memref<256xf32, #tpu.memory_space<vmem>>, vector<16xf32>,
    %add3A_516 = arith.constant 32 : i32
    %add3A_517 = arith.addi %mul3A_2, %add3A_516 : i32
    %dma_start3A_518 = arith.constant 32 : i32
    %dma_start3A_519 = tpu.memref_slice %arg9[%dma_start3A_518] : memref<256xf32, #tpu.memory_space<vmem>> -> memref<16xf32, #tpu.memory_space<vmem>>
    %dma_start3A_520 = tpu.memref_slice %arg5[%add3A_517] : memref<8192xf32, #tpu.memory_space<hbm>> -> memref<16xf32, #tpu.memory_space<hbm>>
    %dma_start3A_521 = tpu.memref_slice %arg5[%add3A_517] : memref<8192xf32, #tpu.memory_space<hbm>> -> memref<16xf32, #tpu.memory_space<hbm>>
    %dma_start3A_522 = arith.constant 32 : i32
    %dma_start3A_523 = tpu.memref_slice %arg9[%dma_start3A_522] : memref<256xf32, #tpu.memory_space<vmem>> -> memref<16xf32, #tpu.memory_space<vmem>>
    tpu.enqueue_dma source(%dma_start3A_523 : memref<16xf32, #tpu.memory_space<vmem>>) target(%dma_start3A_521 : memref<16xf32, #tpu.memory_space<hbm>>) target_semaphore(%arg11 : memref<!tpu.dma_semaphore, #tpu.memory_space<semaphore_mem>>)
    %dma_wait3A_524 = arith.constant 48 : i32
    %dma_wait3A_525 = arith.constant 0 : i32
    %dma_wait3A_526 = tpu.memref_slice %arg8[%dma_wait3A_524, %dma_wait3A_525] : memref<256x128xf32, #tpu.memory_space<vmem>> -> memref<16x128xf32, #tpu.memory_space<vmem>>
    %dma_wait3A_527 = arith.constant 0 : i32
    %dma_wait3A_528 = arith.constant 0 : i32
    %dma_wait3A_529 = tpu.memref_slice %arg2[%dma_wait3A_527, %dma_wait3A_528] : memref<2560000x128xf32, #tpu.memory_space<hbm>> -> memref<2560000x128xf32, #tpu.memory_space<hbm>>
    tpu.wait_indirect_dma semaphore(%arg10 : memref<!tpu.dma_semaphore, #tpu.memory_space<semaphore_mem>>) src(%dma_wait3A_529 : memref<2560000x128xf32, #tpu.memory_space<hbm>>) dst(%dma_wait3A_526 : memref<16x128xf32, #tpu.memory_space<vmem>>)
    %add3A_530 = arith.constant 48 : i32
    %add3A_531 = arith.addi %mul3A_2, %add3A_530 : i32
    %rem3A_532 = arith.constant 128 : i32
    %rem3A_533 = arith.remsi %add3A_531, %rem3A_532 : i32
    %iota3A_534 = tpu.iota {dimensions = array<i32: 0>} : vector<16xi32>
    %add3A_535 = arith.constant 48 : i32
    %add3A_536 = vector.broadcast %add3A_535 : i32 to vector<16xi32>
    %add3A_537 = arith.addi %add3A_536, %iota3A_534 : vector<16xi32>
    %get3A_538 = arith.index_cast %rem3A_533 : i32 to index
    %get3A_539 = tpu.vector_load %arg6[%get3A_538] {strides = array<i32>} : memref<128xi32, #tpu.memory_space<vmem>>, vector<16xi32>,
    %gather3A_540 = tpu.vector_load_idx %arg8[%add3A_537, %get3A_539] : memref<256x128xf32, #tpu.memory_space<vmem>>[vector<16xi32>, vector<16xi32>], vector<16xf32>,
    %swap3A_541 = arith.constant 48 : index
    %swap3A_542 = tpu.vector_load %arg9[%swap3A_541] {strides = array<i32>} : memref<256xf32, #tpu.memory_space<vmem>>, vector<16xf32>,
    tpu.vector_store %arg9[%swap3A_541], %gather3A_540 {strides = array<i32>} : memref<256xf32, #tpu.memory_space<vmem>>, vector<16xf32>,
    %add3A_543 = arith.constant 48 : i32
    %add3A_544 = arith.addi %mul3A_2, %add3A_543 : i32
    %dma_start3A_545 = arith.constant 48 : i32
    %dma_start3A_546 = tpu.memref_slice %arg9[%dma_start3A_545] : memref<256xf32, #tpu.memory_space<vmem>> -> memref<16xf32, #tpu.memory_space<vmem>>
    %dma_start3A_547 = tpu.memref_slice %arg5[%add3A_544] : memref<8192xf32, #tpu.memory_space<hbm>> -> memref<16xf32, #tpu.memory_space<hbm>>
    %dma_start3A_548 = tpu.memref_slice %arg5[%add3A_544] : memref<8192xf32, #tpu.memory_space<hbm>> -> memref<16xf32, #tpu.memory_space<hbm>>
    %dma_start3A_549 = arith.constant 48 : i32
    %dma_start3A_550 = tpu.memref_slice %arg9[%dma_start3A_549] : memref<256xf32, #tpu.memory_space<vmem>> -> memref<16xf32, #tpu.memory_space<vmem>>
    tpu.enqueue_dma source(%dma_start3A_550 : memref<16xf32, #tpu.memory_space<vmem>>) target(%dma_start3A_548 : memref<16xf32, #tpu.memory_space<hbm>>) target_semaphore(%arg11 : memref<!tpu.dma_semaphore, #tpu.memory_space<semaphore_mem>>)
    %dma_wait3A_551 = arith.constant 64 : i32
    %dma_wait3A_552 = arith.constant 0 : i32
    %dma_wait3A_553 = tpu.memref_slice %arg8[%dma_wait3A_551, %dma_wait3A_552] : memref<256x128xf32, #tpu.memory_space<vmem>> -> memref<16x128xf32, #tpu.memory_space<vmem>>
    %dma_wait3A_554 = arith.constant 0 : i32
    %dma_wait3A_555 = arith.constant 0 : i32
    %dma_wait3A_556 = tpu.memref_slice %arg2[%dma_wait3A_554, %dma_wait3A_555] : memref<2560000x128xf32, #tpu.memory_space<hbm>> -> memref<2560000x128xf32, #tpu.memory_space<hbm>>
    tpu.wait_indirect_dma semaphore(%arg10 : memref<!tpu.dma_semaphore, #tpu.memory_space<semaphore_mem>>) src(%dma_wait3A_556 : memref<2560000x128xf32, #tpu.memory_space<hbm>>) dst(%dma_wait3A_553 : memref<16x128xf32, #tpu.memory_space<vmem>>)
    %add3A_557 = arith.constant 64 : i32
    %add3A_558 = arith.addi %mul3A_2, %add3A_557 : i32
    %rem3A_559 = arith.constant 128 : i32
    %rem3A_560 = arith.remsi %add3A_558, %rem3A_559 : i32
    %iota3A_561 = tpu.iota {dimensions = array<i32: 0>} : vector<16xi32>
    %add3A_562 = arith.constant 64 : i32
    %add3A_563 = vector.broadcast %add3A_562 : i32 to vector<16xi32>
    %add3A_564 = arith.addi %add3A_563, %iota3A_561 : vector<16xi32>
    %get3A_565 = arith.index_cast %rem3A_560 : i32 to index
    %get3A_566 = tpu.vector_load %arg6[%get3A_565] {strides = array<i32>} : memref<128xi32, #tpu.memory_space<vmem>>, vector<16xi32>,
    %gather3A_567 = tpu.vector_load_idx %arg8[%add3A_564, %get3A_566] : memref<256x128xf32, #tpu.memory_space<vmem>>[vector<16xi32>, vector<16xi32>], vector<16xf32>,
    %swap3A_568 = arith.constant 64 : index
    %swap3A_569 = tpu.vector_load %arg9[%swap3A_568] {strides = array<i32>} : memref<256xf32, #tpu.memory_space<vmem>>, vector<16xf32>,
    tpu.vector_store %arg9[%swap3A_568], %gather3A_567 {strides = array<i32>} : memref<256xf32, #tpu.memory_space<vmem>>, vector<16xf32>,
    %add3A_570 = arith.constant 64 : i32
    %add3A_571 = arith.addi %mul3A_2, %add3A_570 : i32
    %dma_start3A_572 = arith.constant 64 : i32
    %dma_start3A_573 = tpu.memref_slice %arg9[%dma_start3A_572] : memref<256xf32, #tpu.memory_space<vmem>> -> memref<16xf32, #tpu.memory_space<vmem>>
    %dma_start3A_574 = tpu.memref_slice %arg5[%add3A_571] : memref<8192xf32, #tpu.memory_space<hbm>> -> memref<16xf32, #tpu.memory_space<hbm>>
    %dma_start3A_575 = tpu.memref_slice %arg5[%add3A_571] : memref<8192xf32, #tpu.memory_space<hbm>> -> memref<16xf32, #tpu.memory_space<hbm>>
    %dma_start3A_576 = arith.constant 64 : i32
    %dma_start3A_577 = tpu.memref_slice %arg9[%dma_start3A_576] : memref<256xf32, #tpu.memory_space<vmem>> -> memref<16xf32, #tpu.memory_space<vmem>>
    tpu.enqueue_dma source(%dma_start3A_577 : memref<16xf32, #tpu.memory_space<vmem>>) target(%dma_start3A_575 : memref<16xf32, #tpu.memory_space<hbm>>) target_semaphore(%arg11 : memref<!tpu.dma_semaphore, #tpu.memory_space<semaphore_mem>>)
    %dma_wait3A_578 = arith.constant 80 : i32
    %dma_wait3A_579 = arith.constant 0 : i32
    %dma_wait3A_580 = tpu.memref_slice %arg8[%dma_wait3A_578, %dma_wait3A_579] : memref<256x128xf32, #tpu.memory_space<vmem>> -> memref<16x128xf32, #tpu.memory_space<vmem>>
    %dma_wait3A_581 = arith.constant 0 : i32
    %dma_wait3A_582 = arith.constant 0 : i32
    %dma_wait3A_583 = tpu.memref_slice %arg2[%dma_wait3A_581, %dma_wait3A_582] : memref<2560000x128xf32, #tpu.memory_space<hbm>> -> memref<2560000x128xf32, #tpu.memory_space<hbm>>
    tpu.wait_indirect_dma semaphore(%arg10 : memref<!tpu.dma_semaphore, #tpu.memory_space<semaphore_mem>>) src(%dma_wait3A_583 : memref<2560000x128xf32, #tpu.memory_space<hbm>>) dst(%dma_wait3A_580 : memref<16x128xf32, #tpu.memory_space<vmem>>)
    %add3A_584 = arith.constant 80 : i32
    %add3A_585 = arith.addi %mul3A_2, %add3A_584 : i32
    %rem3A_586 = arith.constant 128 : i32
    %rem3A_587 = arith.remsi %add3A_585, %rem3A_586 : i32
    %iota3A_588 = tpu.iota {dimensions = array<i32: 0>} : vector<16xi32>
    %add3A_589 = arith.constant 80 : i32
    %add3A_590 = vector.broadcast %add3A_589 : i32 to vector<16xi32>
    %add3A_591 = arith.addi %add3A_590, %iota3A_588 : vector<16xi32>
    %get3A_592 = arith.index_cast %rem3A_587 : i32 to index
    %get3A_593 = tpu.vector_load %arg6[%get3A_592] {strides = array<i32>} : memref<128xi32, #tpu.memory_space<vmem>>, vector<16xi32>,
    %gather3A_594 = tpu.vector_load_idx %arg8[%add3A_591, %get3A_593] : memref<256x128xf32, #tpu.memory_space<vmem>>[vector<16xi32>, vector<16xi32>], vector<16xf32>,
    %swap3A_595 = arith.constant 80 : index
    %swap3A_596 = tpu.vector_load %arg9[%swap3A_595] {strides = array<i32>} : memref<256xf32, #tpu.memory_space<vmem>>, vector<16xf32>,
    tpu.vector_store %arg9[%swap3A_595], %gather3A_594 {strides = array<i32>} : memref<256xf32, #tpu.memory_space<vmem>>, vector<16xf32>,
    %add3A_597 = arith.constant 80 : i32
    %add3A_598 = arith.addi %mul3A_2, %add3A_597 : i32
    %dma_start3A_599 = arith.constant 80 : i32
    %dma_start3A_600 = tpu.memref_slice %arg9[%dma_start3A_599] : memref<256xf32, #tpu.memory_space<vmem>> -> memref<16xf32, #tpu.memory_space<vmem>>
    %dma_start3A_601 = tpu.memref_slice %arg5[%add3A_598] : memref<8192xf32, #tpu.memory_space<hbm>> -> memref<16xf32, #tpu.memory_space<hbm>>
    %dma_start3A_602 = tpu.memref_slice %arg5[%add3A_598] : memref<8192xf32, #tpu.memory_space<hbm>> -> memref<16xf32, #tpu.memory_space<hbm>>
    %dma_start3A_603 = arith.constant 80 : i32
    %dma_start3A_604 = tpu.memref_slice %arg9[%dma_start3A_603] : memref<256xf32, #tpu.memory_space<vmem>> -> memref<16xf32, #tpu.memory_space<vmem>>
    tpu.enqueue_dma source(%dma_start3A_604 : memref<16xf32, #tpu.memory_space<vmem>>) target(%dma_start3A_602 : memref<16xf32, #tpu.memory_space<hbm>>) target_semaphore(%arg11 : memref<!tpu.dma_semaphore, #tpu.memory_space<semaphore_mem>>)
    %dma_wait3A_605 = arith.constant 96 : i32
    %dma_wait3A_606 = arith.constant 0 : i32
    %dma_wait3A_607 = tpu.memref_slice %arg8[%dma_wait3A_605, %dma_wait3A_606] : memref<256x128xf32, #tpu.memory_space<vmem>> -> memref<16x128xf32, #tpu.memory_space<vmem>>
    %dma_wait3A_608 = arith.constant 0 : i32
    %dma_wait3A_609 = arith.constant 0 : i32
    %dma_wait3A_610 = tpu.memref_slice %arg2[%dma_wait3A_608, %dma_wait3A_609] : memref<2560000x128xf32, #tpu.memory_space<hbm>> -> memref<2560000x128xf32, #tpu.memory_space<hbm>>
    tpu.wait_indirect_dma semaphore(%arg10 : memref<!tpu.dma_semaphore, #tpu.memory_space<semaphore_mem>>) src(%dma_wait3A_610 : memref<2560000x128xf32, #tpu.memory_space<hbm>>) dst(%dma_wait3A_607 : memref<16x128xf32, #tpu.memory_space<vmem>>)
    %add3A_611 = arith.constant 96 : i32
    %add3A_612 = arith.addi %mul3A_2, %add3A_611 : i32
    %rem3A_613 = arith.constant 128 : i32
    %rem3A_614 = arith.remsi %add3A_612, %rem3A_613 : i32
    %iota3A_615 = tpu.iota {dimensions = array<i32: 0>} : vector<16xi32>
    %add3A_616 = arith.constant 96 : i32
    %add3A_617 = vector.broadcast %add3A_616 : i32 to vector<16xi32>
    %add3A_618 = arith.addi %add3A_617, %iota3A_615 : vector<16xi32>
    %get3A_619 = arith.index_cast %rem3A_614 : i32 to index
    %get3A_620 = tpu.vector_load %arg6[%get3A_619] {strides = array<i32>} : memref<128xi32, #tpu.memory_space<vmem>>, vector<16xi32>,
    %gather3A_621 = tpu.vector_load_idx %arg8[%add3A_618, %get3A_620] : memref<256x128xf32, #tpu.memory_space<vmem>>[vector<16xi32>, vector<16xi32>], vector<16xf32>,
    %swap3A_622 = arith.constant 96 : index
    %swap3A_623 = tpu.vector_load %arg9[%swap3A_622] {strides = array<i32>} : memref<256xf32, #tpu.memory_space<vmem>>, vector<16xf32>,
    tpu.vector_store %arg9[%swap3A_622], %gather3A_621 {strides = array<i32>} : memref<256xf32, #tpu.memory_space<vmem>>, vector<16xf32>,
    %add3A_624 = arith.constant 96 : i32
    %add3A_625 = arith.addi %mul3A_2, %add3A_624 : i32
    %dma_start3A_626 = arith.constant 96 : i32
    %dma_start3A_627 = tpu.memref_slice %arg9[%dma_start3A_626] : memref<256xf32, #tpu.memory_space<vmem>> -> memref<16xf32, #tpu.memory_space<vmem>>
    %dma_start3A_628 = tpu.memref_slice %arg5[%add3A_625] : memref<8192xf32, #tpu.memory_space<hbm>> -> memref<16xf32, #tpu.memory_space<hbm>>
    %dma_start3A_629 = tpu.memref_slice %arg5[%add3A_625] : memref<8192xf32, #tpu.memory_space<hbm>> -> memref<16xf32, #tpu.memory_space<hbm>>
    %dma_start3A_630 = arith.constant 96 : i32
    %dma_start3A_631 = tpu.memref_slice %arg9[%dma_start3A_630] : memref<256xf32, #tpu.memory_space<vmem>> -> memref<16xf32, #tpu.memory_space<vmem>>
    tpu.enqueue_dma source(%dma_start3A_631 : memref<16xf32, #tpu.memory_space<vmem>>) target(%dma_start3A_629 : memref<16xf32, #tpu.memory_space<hbm>>) target_semaphore(%arg11 : memref<!tpu.dma_semaphore, #tpu.memory_space<semaphore_mem>>)
    %dma_wait3A_632 = arith.constant 112 : i32
    %dma_wait3A_633 = arith.constant 0 : i32
    %dma_wait3A_634 = tpu.memref_slice %arg8[%dma_wait3A_632, %dma_wait3A_633] : memref<256x128xf32, #tpu.memory_space<vmem>> -> memref<16x128xf32, #tpu.memory_space<vmem>>
    %dma_wait3A_635 = arith.constant 0 : i32
    %dma_wait3A_636 = arith.constant 0 : i32
    %dma_wait3A_637 = tpu.memref_slice %arg2[%dma_wait3A_635, %dma_wait3A_636] : memref<2560000x128xf32, #tpu.memory_space<hbm>> -> memref<2560000x128xf32, #tpu.memory_space<hbm>>
    tpu.wait_indirect_dma semaphore(%arg10 : memref<!tpu.dma_semaphore, #tpu.memory_space<semaphore_mem>>) src(%dma_wait3A_637 : memref<2560000x128xf32, #tpu.memory_space<hbm>>) dst(%dma_wait3A_634 : memref<16x128xf32, #tpu.memory_space<vmem>>)
    %add3A_638 = arith.constant 112 : i32
    %add3A_639 = arith.addi %mul3A_2, %add3A_638 : i32
    %rem3A_640 = arith.constant 128 : i32
    %rem3A_641 = arith.remsi %add3A_639, %rem3A_640 : i32
    %iota3A_642 = tpu.iota {dimensions = array<i32: 0>} : vector<16xi32>
    %add3A_643 = arith.constant 112 : i32
    %add3A_644 = vector.broadcast %add3A_643 : i32 to vector<16xi32>
    %add3A_645 = arith.addi %add3A_644, %iota3A_642 : vector<16xi32>
    %get3A_646 = arith.index_cast %rem3A_641 : i32 to index
    %get3A_647 = tpu.vector_load %arg6[%get3A_646] {strides = array<i32>} : memref<128xi32, #tpu.memory_space<vmem>>, vector<16xi32>,
    %gather3A_648 = tpu.vector_load_idx %arg8[%add3A_645, %get3A_647] : memref<256x128xf32, #tpu.memory_space<vmem>>[vector<16xi32>, vector<16xi32>], vector<16xf32>,
    %swap3A_649 = arith.constant 112 : index
    %swap3A_650 = tpu.vector_load %arg9[%swap3A_649] {strides = array<i32>} : memref<256xf32, #tpu.memory_space<vmem>>, vector<16xf32>,
    tpu.vector_store %arg9[%swap3A_649], %gather3A_648 {strides = array<i32>} : memref<256xf32, #tpu.memory_space<vmem>>, vector<16xf32>,
    %add3A_651 = arith.constant 112 : i32
    %add3A_652 = arith.addi %mul3A_2, %add3A_651 : i32
    %dma_start3A_653 = arith.constant 112 : i32
    %dma_start3A_654 = tpu.memref_slice %arg9[%dma_start3A_653] : memref<256xf32, #tpu.memory_space<vmem>> -> memref<16xf32, #tpu.memory_space<vmem>>
    %dma_start3A_655 = tpu.memref_slice %arg5[%add3A_652] : memref<8192xf32, #tpu.memory_space<hbm>> -> memref<16xf32, #tpu.memory_space<hbm>>
    %dma_start3A_656 = tpu.memref_slice %arg5[%add3A_652] : memref<8192xf32, #tpu.memory_space<hbm>> -> memref<16xf32, #tpu.memory_space<hbm>>
    %dma_start3A_657 = arith.constant 112 : i32
    %dma_start3A_658 = tpu.memref_slice %arg9[%dma_start3A_657] : memref<256xf32, #tpu.memory_space<vmem>> -> memref<16xf32, #tpu.memory_space<vmem>>
    tpu.enqueue_dma source(%dma_start3A_658 : memref<16xf32, #tpu.memory_space<vmem>>) target(%dma_start3A_656 : memref<16xf32, #tpu.memory_space<hbm>>) target_semaphore(%arg11 : memref<!tpu.dma_semaphore, #tpu.memory_space<semaphore_mem>>)
    %dma_wait3A_659 = arith.constant 128 : i32
    %dma_wait3A_660 = arith.constant 0 : i32
    %dma_wait3A_661 = tpu.memref_slice %arg8[%dma_wait3A_659, %dma_wait3A_660] : memref<256x128xf32, #tpu.memory_space<vmem>> -> memref<16x128xf32, #tpu.memory_space<vmem>>
    %dma_wait3A_662 = arith.constant 0 : i32
    %dma_wait3A_663 = arith.constant 0 : i32
    %dma_wait3A_664 = tpu.memref_slice %arg2[%dma_wait3A_662, %dma_wait3A_663] : memref<2560000x128xf32, #tpu.memory_space<hbm>> -> memref<2560000x128xf32, #tpu.memory_space<hbm>>
    tpu.wait_indirect_dma semaphore(%arg10 : memref<!tpu.dma_semaphore, #tpu.memory_space<semaphore_mem>>) src(%dma_wait3A_664 : memref<2560000x128xf32, #tpu.memory_space<hbm>>) dst(%dma_wait3A_661 : memref<16x128xf32, #tpu.memory_space<vmem>>)
    %add3A_665 = arith.constant 128 : i32
    %add3A_666 = arith.addi %mul3A_2, %add3A_665 : i32
    %rem3A_667 = arith.constant 128 : i32
    %rem3A_668 = arith.remsi %add3A_666, %rem3A_667 : i32
    %iota3A_669 = tpu.iota {dimensions = array<i32: 0>} : vector<16xi32>
    %add3A_670 = arith.constant 128 : i32
    %add3A_671 = vector.broadcast %add3A_670 : i32 to vector<16xi32>
    %add3A_672 = arith.addi %add3A_671, %iota3A_669 : vector<16xi32>
    %get3A_673 = arith.index_cast %rem3A_668 : i32 to index
    %get3A_674 = tpu.vector_load %arg6[%get3A_673] {strides = array<i32>} : memref<128xi32, #tpu.memory_space<vmem>>, vector<16xi32>,
    %gather3A_675 = tpu.vector_load_idx %arg8[%add3A_672, %get3A_674] : memref<256x128xf32, #tpu.memory_space<vmem>>[vector<16xi32>, vector<16xi32>], vector<16xf32>,
    %swap3A_676 = arith.constant 128 : index
    %swap3A_677 = tpu.vector_load %arg9[%swap3A_676] {strides = array<i32>} : memref<256xf32, #tpu.memory_space<vmem>>, vector<16xf32>,
    tpu.vector_store %arg9[%swap3A_676], %gather3A_675 {strides = array<i32>} : memref<256xf32, #tpu.memory_space<vmem>>, vector<16xf32>,
    %add3A_678 = arith.constant 128 : i32
    %add3A_679 = arith.addi %mul3A_2, %add3A_678 : i32
    %dma_start3A_680 = arith.constant 128 : i32
    %dma_start3A_681 = tpu.memref_slice %arg9[%dma_start3A_680] : memref<256xf32, #tpu.memory_space<vmem>> -> memref<16xf32, #tpu.memory_space<vmem>>
    %dma_start3A_682 = tpu.memref_slice %arg5[%add3A_679] : memref<8192xf32, #tpu.memory_space<hbm>> -> memref<16xf32, #tpu.memory_space<hbm>>
    %dma_start3A_683 = tpu.memref_slice %arg5[%add3A_679] : memref<8192xf32, #tpu.memory_space<hbm>> -> memref<16xf32, #tpu.memory_space<hbm>>
    %dma_start3A_684 = arith.constant 128 : i32
    %dma_start3A_685 = tpu.memref_slice %arg9[%dma_start3A_684] : memref<256xf32, #tpu.memory_space<vmem>> -> memref<16xf32, #tpu.memory_space<vmem>>
    tpu.enqueue_dma source(%dma_start3A_685 : memref<16xf32, #tpu.memory_space<vmem>>) target(%dma_start3A_683 : memref<16xf32, #tpu.memory_space<hbm>>) target_semaphore(%arg11 : memref<!tpu.dma_semaphore, #tpu.memory_space<semaphore_mem>>)
    %dma_wait3A_686 = arith.constant 144 : i32
    %dma_wait3A_687 = arith.constant 0 : i32
    %dma_wait3A_688 = tpu.memref_slice %arg8[%dma_wait3A_686, %dma_wait3A_687] : memref<256x128xf32, #tpu.memory_space<vmem>> -> memref<16x128xf32, #tpu.memory_space<vmem>>
    %dma_wait3A_689 = arith.constant 0 : i32
    %dma_wait3A_690 = arith.constant 0 : i32
    %dma_wait3A_691 = tpu.memref_slice %arg2[%dma_wait3A_689, %dma_wait3A_690] : memref<2560000x128xf32, #tpu.memory_space<hbm>> -> memref<2560000x128xf32, #tpu.memory_space<hbm>>
    tpu.wait_indirect_dma semaphore(%arg10 : memref<!tpu.dma_semaphore, #tpu.memory_space<semaphore_mem>>) src(%dma_wait3A_691 : memref<2560000x128xf32, #tpu.memory_space<hbm>>) dst(%dma_wait3A_688 : memref<16x128xf32, #tpu.memory_space<vmem>>)
    %add3A_692 = arith.constant 144 : i32
    %add3A_693 = arith.addi %mul3A_2, %add3A_692 : i32
    %rem3A_694 = arith.constant 128 : i32
    %rem3A_695 = arith.remsi %add3A_693, %rem3A_694 : i32
    %iota3A_696 = tpu.iota {dimensions = array<i32: 0>} : vector<16xi32>
    %add3A_697 = arith.constant 144 : i32
    %add3A_698 = vector.broadcast %add3A_697 : i32 to vector<16xi32>
    %add3A_699 = arith.addi %add3A_698, %iota3A_696 : vector<16xi32>
    %get3A_700 = arith.index_cast %rem3A_695 : i32 to index
    %get3A_701 = tpu.vector_load %arg6[%get3A_700] {strides = array<i32>} : memref<128xi32, #tpu.memory_space<vmem>>, vector<16xi32>,
    %gather3A_702 = tpu.vector_load_idx %arg8[%add3A_699, %get3A_701] : memref<256x128xf32, #tpu.memory_space<vmem>>[vector<16xi32>, vector<16xi32>], vector<16xf32>,
    %swap3A_703 = arith.constant 144 : index
    %swap3A_704 = tpu.vector_load %arg9[%swap3A_703] {strides = array<i32>} : memref<256xf32, #tpu.memory_space<vmem>>, vector<16xf32>,
    tpu.vector_store %arg9[%swap3A_703], %gather3A_702 {strides = array<i32>} : memref<256xf32, #tpu.memory_space<vmem>>, vector<16xf32>,
    %add3A_705 = arith.constant 144 : i32
    %add3A_706 = arith.addi %mul3A_2, %add3A_705 : i32
    %dma_start3A_707 = arith.constant 144 : i32
    %dma_start3A_708 = tpu.memref_slice %arg9[%dma_start3A_707] : memref<256xf32, #tpu.memory_space<vmem>> -> memref<16xf32, #tpu.memory_space<vmem>>
    %dma_start3A_709 = tpu.memref_slice %arg5[%add3A_706] : memref<8192xf32, #tpu.memory_space<hbm>> -> memref<16xf32, #tpu.memory_space<hbm>>
    %dma_start3A_710 = tpu.memref_slice %arg5[%add3A_706] : memref<8192xf32, #tpu.memory_space<hbm>> -> memref<16xf32, #tpu.memory_space<hbm>>
    %dma_start3A_711 = arith.constant 144 : i32
    %dma_start3A_712 = tpu.memref_slice %arg9[%dma_start3A_711] : memref<256xf32, #tpu.memory_space<vmem>> -> memref<16xf32, #tpu.memory_space<vmem>>
    tpu.enqueue_dma source(%dma_start3A_712 : memref<16xf32, #tpu.memory_space<vmem>>) target(%dma_start3A_710 : memref<16xf32, #tpu.memory_space<hbm>>) target_semaphore(%arg11 : memref<!tpu.dma_semaphore, #tpu.memory_space<semaphore_mem>>)
    %dma_wait3A_713 = arith.constant 160 : i32
    %dma_wait3A_714 = arith.constant 0 : i32
    %dma_wait3A_715 = tpu.memref_slice %arg8[%dma_wait3A_713, %dma_wait3A_714] : memref<256x128xf32, #tpu.memory_space<vmem>> -> memref<16x128xf32, #tpu.memory_space<vmem>>
    %dma_wait3A_716 = arith.constant 0 : i32
    %dma_wait3A_717 = arith.constant 0 : i32
    %dma_wait3A_718 = tpu.memref_slice %arg2[%dma_wait3A_716, %dma_wait3A_717] : memref<2560000x128xf32, #tpu.memory_space<hbm>> -> memref<2560000x128xf32, #tpu.memory_space<hbm>>
    tpu.wait_indirect_dma semaphore(%arg10 : memref<!tpu.dma_semaphore, #tpu.memory_space<semaphore_mem>>) src(%dma_wait3A_718 : memref<2560000x128xf32, #tpu.memory_space<hbm>>) dst(%dma_wait3A_715 : memref<16x128xf32, #tpu.memory_space<vmem>>)
    %add3A_719 = arith.constant 160 : i32
    %add3A_720 = arith.addi %mul3A_2, %add3A_719 : i32
    %rem3A_721 = arith.constant 128 : i32
    %rem3A_722 = arith.remsi %add3A_720, %rem3A_721 : i32
    %iota3A_723 = tpu.iota {dimensions = array<i32: 0>} : vector<16xi32>
    %add3A_724 = arith.constant 160 : i32
    %add3A_725 = vector.broadcast %add3A_724 : i32 to vector<16xi32>
    %add3A_726 = arith.addi %add3A_725, %iota3A_723 : vector<16xi32>
    %get3A_727 = arith.index_cast %rem3A_722 : i32 to index
    %get3A_728 = tpu.vector_load %arg6[%get3A_727] {strides = array<i32>} : memref<128xi32, #tpu.memory_space<vmem>>, vector<16xi32>,
    %gather3A_729 = tpu.vector_load_idx %arg8[%add3A_726, %get3A_728] : memref<256x128xf32, #tpu.memory_space<vmem>>[vector<16xi32>, vector<16xi32>], vector<16xf32>,
    %swap3A_730 = arith.constant 160 : index
    %swap3A_731 = tpu.vector_load %arg9[%swap3A_730] {strides = array<i32>} : memref<256xf32, #tpu.memory_space<vmem>>, vector<16xf32>,
    tpu.vector_store %arg9[%swap3A_730], %gather3A_729 {strides = array<i32>} : memref<256xf32, #tpu.memory_space<vmem>>, vector<16xf32>,
    %add3A_732 = arith.constant 160 : i32
    %add3A_733 = arith.addi %mul3A_2, %add3A_732 : i32
    %dma_start3A_734 = arith.constant 160 : i32
    %dma_start3A_735 = tpu.memref_slice %arg9[%dma_start3A_734] : memref<256xf32, #tpu.memory_space<vmem>> -> memref<16xf32, #tpu.memory_space<vmem>>
    %dma_start3A_736 = tpu.memref_slice %arg5[%add3A_733] : memref<8192xf32, #tpu.memory_space<hbm>> -> memref<16xf32, #tpu.memory_space<hbm>>
    %dma_start3A_737 = tpu.memref_slice %arg5[%add3A_733] : memref<8192xf32, #tpu.memory_space<hbm>> -> memref<16xf32, #tpu.memory_space<hbm>>
    %dma_start3A_738 = arith.constant 160 : i32
    %dma_start3A_739 = tpu.memref_slice %arg9[%dma_start3A_738] : memref<256xf32, #tpu.memory_space<vmem>> -> memref<16xf32, #tpu.memory_space<vmem>>
    tpu.enqueue_dma source(%dma_start3A_739 : memref<16xf32, #tpu.memory_space<vmem>>) target(%dma_start3A_737 : memref<16xf32, #tpu.memory_space<hbm>>) target_semaphore(%arg11 : memref<!tpu.dma_semaphore, #tpu.memory_space<semaphore_mem>>)
    %dma_wait3A_740 = arith.constant 176 : i32
    %dma_wait3A_741 = arith.constant 0 : i32
    %dma_wait3A_742 = tpu.memref_slice %arg8[%dma_wait3A_740, %dma_wait3A_741] : memref<256x128xf32, #tpu.memory_space<vmem>> -> memref<16x128xf32, #tpu.memory_space<vmem>>
    %dma_wait3A_743 = arith.constant 0 : i32
    %dma_wait3A_744 = arith.constant 0 : i32
    %dma_wait3A_745 = tpu.memref_slice %arg2[%dma_wait3A_743, %dma_wait3A_744] : memref<2560000x128xf32, #tpu.memory_space<hbm>> -> memref<2560000x128xf32, #tpu.memory_space<hbm>>
    tpu.wait_indirect_dma semaphore(%arg10 : memref<!tpu.dma_semaphore, #tpu.memory_space<semaphore_mem>>) src(%dma_wait3A_745 : memref<2560000x128xf32, #tpu.memory_space<hbm>>) dst(%dma_wait3A_742 : memref<16x128xf32, #tpu.memory_space<vmem>>)
    %add3A_746 = arith.constant 176 : i32
    %add3A_747 = arith.addi %mul3A_2, %add3A_746 : i32
    %rem3A_748 = arith.constant 128 : i32
    %rem3A_749 = arith.remsi %add3A_747, %rem3A_748 : i32
    %iota3A_750 = tpu.iota {dimensions = array<i32: 0>} : vector<16xi32>
    %add3A_751 = arith.constant 176 : i32
    %add3A_752 = vector.broadcast %add3A_751 : i32 to vector<16xi32>
    %add3A_753 = arith.addi %add3A_752, %iota3A_750 : vector<16xi32>
    %get3A_754 = arith.index_cast %rem3A_749 : i32 to index
    %get3A_755 = tpu.vector_load %arg6[%get3A_754] {strides = array<i32>} : memref<128xi32, #tpu.memory_space<vmem>>, vector<16xi32>,
    %gather3A_756 = tpu.vector_load_idx %arg8[%add3A_753, %get3A_755] : memref<256x128xf32, #tpu.memory_space<vmem>>[vector<16xi32>, vector<16xi32>], vector<16xf32>,
    %swap3A_757 = arith.constant 176 : index
    %swap3A_758 = tpu.vector_load %arg9[%swap3A_757] {strides = array<i32>} : memref<256xf32, #tpu.memory_space<vmem>>, vector<16xf32>,
    tpu.vector_store %arg9[%swap3A_757], %gather3A_756 {strides = array<i32>} : memref<256xf32, #tpu.memory_space<vmem>>, vector<16xf32>,
    %add3A_759 = arith.constant 176 : i32
    %add3A_760 = arith.addi %mul3A_2, %add3A_759 : i32
    %dma_start3A_761 = arith.constant 176 : i32
    %dma_start3A_762 = tpu.memref_slice %arg9[%dma_start3A_761] : memref<256xf32, #tpu.memory_space<vmem>> -> memref<16xf32, #tpu.memory_space<vmem>>
    %dma_start3A_763 = tpu.memref_slice %arg5[%add3A_760] : memref<8192xf32, #tpu.memory_space<hbm>> -> memref<16xf32, #tpu.memory_space<hbm>>
    %dma_start3A_764 = tpu.memref_slice %arg5[%add3A_760] : memref<8192xf32, #tpu.memory_space<hbm>> -> memref<16xf32, #tpu.memory_space<hbm>>
    %dma_start3A_765 = arith.constant 176 : i32
    %dma_start3A_766 = tpu.memref_slice %arg9[%dma_start3A_765] : memref<256xf32, #tpu.memory_space<vmem>> -> memref<16xf32, #tpu.memory_space<vmem>>
    tpu.enqueue_dma source(%dma_start3A_766 : memref<16xf32, #tpu.memory_space<vmem>>) target(%dma_start3A_764 : memref<16xf32, #tpu.memory_space<hbm>>) target_semaphore(%arg11 : memref<!tpu.dma_semaphore, #tpu.memory_space<semaphore_mem>>)
    %dma_wait3A_767 = arith.constant 192 : i32
    %dma_wait3A_768 = arith.constant 0 : i32
    %dma_wait3A_769 = tpu.memref_slice %arg8[%dma_wait3A_767, %dma_wait3A_768] : memref<256x128xf32, #tpu.memory_space<vmem>> -> memref<16x128xf32, #tpu.memory_space<vmem>>
    %dma_wait3A_770 = arith.constant 0 : i32
    %dma_wait3A_771 = arith.constant 0 : i32
    %dma_wait3A_772 = tpu.memref_slice %arg2[%dma_wait3A_770, %dma_wait3A_771] : memref<2560000x128xf32, #tpu.memory_space<hbm>> -> memref<2560000x128xf32, #tpu.memory_space<hbm>>
    tpu.wait_indirect_dma semaphore(%arg10 : memref<!tpu.dma_semaphore, #tpu.memory_space<semaphore_mem>>) src(%dma_wait3A_772 : memref<2560000x128xf32, #tpu.memory_space<hbm>>) dst(%dma_wait3A_769 : memref<16x128xf32, #tpu.memory_space<vmem>>)
    %add3A_773 = arith.constant 192 : i32
    %add3A_774 = arith.addi %mul3A_2, %add3A_773 : i32
    %rem3A_775 = arith.constant 128 : i32
    %rem3A_776 = arith.remsi %add3A_774, %rem3A_775 : i32
    %iota3A_777 = tpu.iota {dimensions = array<i32: 0>} : vector<16xi32>
    %add3A_778 = arith.constant 192 : i32
    %add3A_779 = vector.broadcast %add3A_778 : i32 to vector<16xi32>
    %add3A_780 = arith.addi %add3A_779, %iota3A_777 : vector<16xi32>
    %get3A_781 = arith.index_cast %rem3A_776 : i32 to index
    %get3A_782 = tpu.vector_load %arg6[%get3A_781] {strides = array<i32>} : memref<128xi32, #tpu.memory_space<vmem>>, vector<16xi32>,
    %gather3A_783 = tpu.vector_load_idx %arg8[%add3A_780, %get3A_782] : memref<256x128xf32, #tpu.memory_space<vmem>>[vector<16xi32>, vector<16xi32>], vector<16xf32>,
    %swap3A_784 = arith.constant 192 : index
    %swap3A_785 = tpu.vector_load %arg9[%swap3A_784] {strides = array<i32>} : memref<256xf32, #tpu.memory_space<vmem>>, vector<16xf32>,
    tpu.vector_store %arg9[%swap3A_784], %gather3A_783 {strides = array<i32>} : memref<256xf32, #tpu.memory_space<vmem>>, vector<16xf32>,
    %add3A_786 = arith.constant 192 : i32
    %add3A_787 = arith.addi %mul3A_2, %add3A_786 : i32
    %dma_start3A_788 = arith.constant 192 : i32
    %dma_start3A_789 = tpu.memref_slice %arg9[%dma_start3A_788] : memref<256xf32, #tpu.memory_space<vmem>> -> memref<16xf32, #tpu.memory_space<vmem>>
    %dma_start3A_790 = tpu.memref_slice %arg5[%add3A_787] : memref<8192xf32, #tpu.memory_space<hbm>> -> memref<16xf32, #tpu.memory_space<hbm>>
    %dma_start3A_791 = tpu.memref_slice %arg5[%add3A_787] : memref<8192xf32, #tpu.memory_space<hbm>> -> memref<16xf32, #tpu.memory_space<hbm>>
    %dma_start3A_792 = arith.constant 192 : i32
    %dma_start3A_793 = tpu.memref_slice %arg9[%dma_start3A_792] : memref<256xf32, #tpu.memory_space<vmem>> -> memref<16xf32, #tpu.memory_space<vmem>>
    tpu.enqueue_dma source(%dma_start3A_793 : memref<16xf32, #tpu.memory_space<vmem>>) target(%dma_start3A_791 : memref<16xf32, #tpu.memory_space<hbm>>) target_semaphore(%arg11 : memref<!tpu.dma_semaphore, #tpu.memory_space<semaphore_mem>>)
    %dma_wait3A_794 = arith.constant 208 : i32
    %dma_wait3A_795 = arith.constant 0 : i32
    %dma_wait3A_796 = tpu.memref_slice %arg8[%dma_wait3A_794, %dma_wait3A_795] : memref<256x128xf32, #tpu.memory_space<vmem>> -> memref<16x128xf32, #tpu.memory_space<vmem>>
    %dma_wait3A_797 = arith.constant 0 : i32
    %dma_wait3A_798 = arith.constant 0 : i32
    %dma_wait3A_799 = tpu.memref_slice %arg2[%dma_wait3A_797, %dma_wait3A_798] : memref<2560000x128xf32, #tpu.memory_space<hbm>> -> memref<2560000x128xf32, #tpu.memory_space<hbm>>
    tpu.wait_indirect_dma semaphore(%arg10 : memref<!tpu.dma_semaphore, #tpu.memory_space<semaphore_mem>>) src(%dma_wait3A_799 : memref<2560000x128xf32, #tpu.memory_space<hbm>>) dst(%dma_wait3A_796 : memref<16x128xf32, #tpu.memory_space<vmem>>)
    %add3A_800 = arith.constant 208 : i32
    %add3A_801 = arith.addi %mul3A_2, %add3A_800 : i32
    %rem3A_802 = arith.constant 128 : i32
    %rem3A_803 = arith.remsi %add3A_801, %rem3A_802 : i32
    %iota3A_804 = tpu.iota {dimensions = array<i32: 0>} : vector<16xi32>
    %add3A_805 = arith.constant 208 : i32
    %add3A_806 = vector.broadcast %add3A_805 : i32 to vector<16xi32>
    %add3A_807 = arith.addi %add3A_806, %iota3A_804 : vector<16xi32>
    %get3A_808 = arith.index_cast %rem3A_803 : i32 to index
    %get3A_809 = tpu.vector_load %arg6[%get3A_808] {strides = array<i32>} : memref<128xi32, #tpu.memory_space<vmem>>, vector<16xi32>,
    %gather3A_810 = tpu.vector_load_idx %arg8[%add3A_807, %get3A_809] : memref<256x128xf32, #tpu.memory_space<vmem>>[vector<16xi32>, vector<16xi32>], vector<16xf32>,
    %swap3A_811 = arith.constant 208 : index
    %swap3A_812 = tpu.vector_load %arg9[%swap3A_811] {strides = array<i32>} : memref<256xf32, #tpu.memory_space<vmem>>, vector<16xf32>,
    tpu.vector_store %arg9[%swap3A_811], %gather3A_810 {strides = array<i32>} : memref<256xf32, #tpu.memory_space<vmem>>, vector<16xf32>,
    %add3A_813 = arith.constant 208 : i32
    %add3A_814 = arith.addi %mul3A_2, %add3A_813 : i32
    %dma_start3A_815 = arith.constant 208 : i32
    %dma_start3A_816 = tpu.memref_slice %arg9[%dma_start3A_815] : memref<256xf32, #tpu.memory_space<vmem>> -> memref<16xf32, #tpu.memory_space<vmem>>
    %dma_start3A_817 = tpu.memref_slice %arg5[%add3A_814] : memref<8192xf32, #tpu.memory_space<hbm>> -> memref<16xf32, #tpu.memory_space<hbm>>
    %dma_start3A_818 = tpu.memref_slice %arg5[%add3A_814] : memref<8192xf32, #tpu.memory_space<hbm>> -> memref<16xf32, #tpu.memory_space<hbm>>
    %dma_start3A_819 = arith.constant 208 : i32
    %dma_start3A_820 = tpu.memref_slice %arg9[%dma_start3A_819] : memref<256xf32, #tpu.memory_space<vmem>> -> memref<16xf32, #tpu.memory_space<vmem>>
    tpu.enqueue_dma source(%dma_start3A_820 : memref<16xf32, #tpu.memory_space<vmem>>) target(%dma_start3A_818 : memref<16xf32, #tpu.memory_space<hbm>>) target_semaphore(%arg11 : memref<!tpu.dma_semaphore, #tpu.memory_space<semaphore_mem>>)
    %dma_wait3A_821 = arith.constant 224 : i32
    %dma_wait3A_822 = arith.constant 0 : i32
    %dma_wait3A_823 = tpu.memref_slice %arg8[%dma_wait3A_821, %dma_wait3A_822] : memref<256x128xf32, #tpu.memory_space<vmem>> -> memref<16x128xf32, #tpu.memory_space<vmem>>
    %dma_wait3A_824 = arith.constant 0 : i32
    %dma_wait3A_825 = arith.constant 0 : i32
    %dma_wait3A_826 = tpu.memref_slice %arg2[%dma_wait3A_824, %dma_wait3A_825] : memref<2560000x128xf32, #tpu.memory_space<hbm>> -> memref<2560000x128xf32, #tpu.memory_space<hbm>>
    tpu.wait_indirect_dma semaphore(%arg10 : memref<!tpu.dma_semaphore, #tpu.memory_space<semaphore_mem>>) src(%dma_wait3A_826 : memref<2560000x128xf32, #tpu.memory_space<hbm>>) dst(%dma_wait3A_823 : memref<16x128xf32, #tpu.memory_space<vmem>>)
    %add3A_827 = arith.constant 224 : i32
    %add3A_828 = arith.addi %mul3A_2, %add3A_827 : i32
    %rem3A_829 = arith.constant 128 : i32
    %rem3A_830 = arith.remsi %add3A_828, %rem3A_829 : i32
    %iota3A_831 = tpu.iota {dimensions = array<i32: 0>} : vector<16xi32>
    %add3A_832 = arith.constant 224 : i32
    %add3A_833 = vector.broadcast %add3A_832 : i32 to vector<16xi32>
    %add3A_834 = arith.addi %add3A_833, %iota3A_831 : vector<16xi32>
    %get3A_835 = arith.index_cast %rem3A_830 : i32 to index
    %get3A_836 = tpu.vector_load %arg6[%get3A_835] {strides = array<i32>} : memref<128xi32, #tpu.memory_space<vmem>>, vector<16xi32>,
    %gather3A_837 = tpu.vector_load_idx %arg8[%add3A_834, %get3A_836] : memref<256x128xf32, #tpu.memory_space<vmem>>[vector<16xi32>, vector<16xi32>], vector<16xf32>,
    %swap3A_838 = arith.constant 224 : index
    %swap3A_839 = tpu.vector_load %arg9[%swap3A_838] {strides = array<i32>} : memref<256xf32, #tpu.memory_space<vmem>>, vector<16xf32>,
    tpu.vector_store %arg9[%swap3A_838], %gather3A_837 {strides = array<i32>} : memref<256xf32, #tpu.memory_space<vmem>>, vector<16xf32>,
    %add3A_840 = arith.constant 224 : i32
    %add3A_841 = arith.addi %mul3A_2, %add3A_840 : i32
    %dma_start3A_842 = arith.constant 224 : i32
    %dma_start3A_843 = tpu.memref_slice %arg9[%dma_start3A_842] : memref<256xf32, #tpu.memory_space<vmem>> -> memref<16xf32, #tpu.memory_space<vmem>>
    %dma_start3A_844 = tpu.memref_slice %arg5[%add3A_841] : memref<8192xf32, #tpu.memory_space<hbm>> -> memref<16xf32, #tpu.memory_space<hbm>>
    %dma_start3A_845 = tpu.memref_slice %arg5[%add3A_841] : memref<8192xf32, #tpu.memory_space<hbm>> -> memref<16xf32, #tpu.memory_space<hbm>>
    %dma_start3A_846 = arith.constant 224 : i32
    %dma_start3A_847 = tpu.memref_slice %arg9[%dma_start3A_846] : memref<256xf32, #tpu.memory_space<vmem>> -> memref<16xf32, #tpu.memory_space<vmem>>
    tpu.enqueue_dma source(%dma_start3A_847 : memref<16xf32, #tpu.memory_space<vmem>>) target(%dma_start3A_845 : memref<16xf32, #tpu.memory_space<hbm>>) target_semaphore(%arg11 : memref<!tpu.dma_semaphore, #tpu.memory_space<semaphore_mem>>)
    %dma_wait3A_848 = arith.constant 240 : i32
    %dma_wait3A_849 = arith.constant 0 : i32
    %dma_wait3A_850 = tpu.memref_slice %arg8[%dma_wait3A_848, %dma_wait3A_849] : memref<256x128xf32, #tpu.memory_space<vmem>> -> memref<16x128xf32, #tpu.memory_space<vmem>>
    %dma_wait3A_851 = arith.constant 0 : i32
    %dma_wait3A_852 = arith.constant 0 : i32
    %dma_wait3A_853 = tpu.memref_slice %arg2[%dma_wait3A_851, %dma_wait3A_852] : memref<2560000x128xf32, #tpu.memory_space<hbm>> -> memref<2560000x128xf32, #tpu.memory_space<hbm>>
    tpu.wait_indirect_dma semaphore(%arg10 : memref<!tpu.dma_semaphore, #tpu.memory_space<semaphore_mem>>) src(%dma_wait3A_853 : memref<2560000x128xf32, #tpu.memory_space<hbm>>) dst(%dma_wait3A_850 : memref<16x128xf32, #tpu.memory_space<vmem>>)
    %add3A_854 = arith.constant 240 : i32
    %add3A_855 = arith.addi %mul3A_2, %add3A_854 : i32
    %rem3A_856 = arith.constant 128 : i32
    %rem3A_857 = arith.remsi %add3A_855, %rem3A_856 : i32
    %iota3A_858 = tpu.iota {dimensions = array<i32: 0>} : vector<16xi32>
    %add3A_859 = arith.constant 240 : i32
    %add3A_860 = vector.broadcast %add3A_859 : i32 to vector<16xi32>
    %add3A_861 = arith.addi %add3A_860, %iota3A_858 : vector<16xi32>
    %get3A_862 = arith.index_cast %rem3A_857 : i32 to index
    %get3A_863 = tpu.vector_load %arg6[%get3A_862] {strides = array<i32>} : memref<128xi32, #tpu.memory_space<vmem>>, vector<16xi32>,
    %gather3A_864 = tpu.vector_load_idx %arg8[%add3A_861, %get3A_863] : memref<256x128xf32, #tpu.memory_space<vmem>>[vector<16xi32>, vector<16xi32>], vector<16xf32>,
    %swap3A_865 = arith.constant 240 : index
    %swap3A_866 = tpu.vector_load %arg9[%swap3A_865] {strides = array<i32>} : memref<256xf32, #tpu.memory_space<vmem>>, vector<16xf32>,
    tpu.vector_store %arg9[%swap3A_865], %gather3A_864 {strides = array<i32>} : memref<256xf32, #tpu.memory_space<vmem>>, vector<16xf32>,
    %add3A_867 = arith.constant 240 : i32
    %add3A_868 = arith.addi %mul3A_2, %add3A_867 : i32
    %dma_start3A_869 = arith.constant 240 : i32
    %dma_start3A_870 = tpu.memref_slice %arg9[%dma_start3A_869] : memref<256xf32, #tpu.memory_space<vmem>> -> memref<16xf32, #tpu.memory_space<vmem>>
    %dma_start3A_871 = tpu.memref_slice %arg5[%add3A_868] : memref<8192xf32, #tpu.memory_space<hbm>> -> memref<16xf32, #tpu.memory_space<hbm>>
    %dma_start3A_872 = tpu.memref_slice %arg5[%add3A_868] : memref<8192xf32, #tpu.memory_space<hbm>> -> memref<16xf32, #tpu.memory_space<hbm>>
    %dma_start3A_873 = arith.constant 240 : i32
    %dma_start3A_874 = tpu.memref_slice %arg9[%dma_start3A_873] : memref<256xf32, #tpu.memory_space<vmem>> -> memref<16xf32, #tpu.memory_space<vmem>>
    tpu.enqueue_dma source(%dma_start3A_874 : memref<16xf32, #tpu.memory_space<vmem>>) target(%dma_start3A_872 : memref<16xf32, #tpu.memory_space<hbm>>) target_semaphore(%arg11 : memref<!tpu.dma_semaphore, #tpu.memory_space<semaphore_mem>>)
    %dma_wait3A_875 = arith.constant 0 : i32
    %dma_wait3A_876 = tpu.memref_slice %arg9[%dma_wait3A_875] : memref<256xf32, #tpu.memory_space<vmem>> -> memref<16xf32, #tpu.memory_space<vmem>>
    %dma_wait3A_877 = tpu.memref_slice %arg5[%add3A_463] : memref<8192xf32, #tpu.memory_space<hbm>> -> memref<16xf32, #tpu.memory_space<hbm>>
    %dma_wait3A_878 = tpu.memref_slice %arg5[%add3A_463] : memref<8192xf32, #tpu.memory_space<hbm>> -> memref<16xf32, #tpu.memory_space<hbm>>
    %dma_wait3A_879 = arith.constant 0 : i32
    %dma_wait3A_880 = tpu.memref_slice %arg9[%dma_wait3A_879] : memref<256xf32, #tpu.memory_space<vmem>> -> memref<16xf32, #tpu.memory_space<vmem>>
    tpu.wait_dma2 semaphore(%arg11 : memref<!tpu.dma_semaphore, #tpu.memory_space<semaphore_mem>>) src(%dma_wait3A_880 : memref<16xf32, #tpu.memory_space<vmem>>) dst(%dma_wait3A_878 : memref<16xf32, #tpu.memory_space<hbm>>)
    %dma_wait3A_881 = arith.constant 16 : i32
    %dma_wait3A_882 = tpu.memref_slice %arg9[%dma_wait3A_881] : memref<256xf32, #tpu.memory_space<vmem>> -> memref<16xf32, #tpu.memory_space<vmem>>
    %dma_wait3A_883 = tpu.memref_slice %arg5[%add3A_490] : memref<8192xf32, #tpu.memory_space<hbm>> -> memref<16xf32, #tpu.memory_space<hbm>>
    %dma_wait3A_884 = tpu.memref_slice %arg5[%add3A_490] : memref<8192xf32, #tpu.memory_space<hbm>> -> memref<16xf32, #tpu.memory_space<hbm>>
    %dma_wait3A_885 = arith.constant 16 : i32
    %dma_wait3A_886 = tpu.memref_slice %arg9[%dma_wait3A_885] : memref<256xf32, #tpu.memory_space<vmem>> -> memref<16xf32, #tpu.memory_space<vmem>>
    tpu.wait_dma2 semaphore(%arg11 : memref<!tpu.dma_semaphore, #tpu.memory_space<semaphore_mem>>) src(%dma_wait3A_886 : memref<16xf32, #tpu.memory_space<vmem>>) dst(%dma_wait3A_884 : memref<16xf32, #tpu.memory_space<hbm>>)
    %dma_wait3A_887 = arith.constant 32 : i32
    %dma_wait3A_888 = tpu.memref_slice %arg9[%dma_wait3A_887] : memref<256xf32, #tpu.memory_space<vmem>> -> memref<16xf32, #tpu.memory_space<vmem>>
    %dma_wait3A_889 = tpu.memref_slice %arg5[%add3A_517] : memref<8192xf32, #tpu.memory_space<hbm>> -> memref<16xf32, #tpu.memory_space<hbm>>
    %dma_wait3A_890 = tpu.memref_slice %arg5[%add3A_517] : memref<8192xf32, #tpu.memory_space<hbm>> -> memref<16xf32, #tpu.memory_space<hbm>>
    %dma_wait3A_891 = arith.constant 32 : i32
    %dma_wait3A_892 = tpu.memref_slice %arg9[%dma_wait3A_891] : memref<256xf32, #tpu.memory_space<vmem>> -> memref<16xf32, #tpu.memory_space<vmem>>
    tpu.wait_dma2 semaphore(%arg11 : memref<!tpu.dma_semaphore, #tpu.memory_space<semaphore_mem>>) src(%dma_wait3A_892 : memref<16xf32, #tpu.memory_space<vmem>>) dst(%dma_wait3A_890 : memref<16xf32, #tpu.memory_space<hbm>>)
    %dma_wait3A_893 = arith.constant 48 : i32
    %dma_wait3A_894 = tpu.memref_slice %arg9[%dma_wait3A_893] : memref<256xf32, #tpu.memory_space<vmem>> -> memref<16xf32, #tpu.memory_space<vmem>>
    %dma_wait3A_895 = tpu.memref_slice %arg5[%add3A_544] : memref<8192xf32, #tpu.memory_space<hbm>> -> memref<16xf32, #tpu.memory_space<hbm>>
    %dma_wait3A_896 = tpu.memref_slice %arg5[%add3A_544] : memref<8192xf32, #tpu.memory_space<hbm>> -> memref<16xf32, #tpu.memory_space<hbm>>
    %dma_wait3A_897 = arith.constant 48 : i32
    %dma_wait3A_898 = tpu.memref_slice %arg9[%dma_wait3A_897] : memref<256xf32, #tpu.memory_space<vmem>> -> memref<16xf32, #tpu.memory_space<vmem>>
    tpu.wait_dma2 semaphore(%arg11 : memref<!tpu.dma_semaphore, #tpu.memory_space<semaphore_mem>>) src(%dma_wait3A_898 : memref<16xf32, #tpu.memory_space<vmem>>) dst(%dma_wait3A_896 : memref<16xf32, #tpu.memory_space<hbm>>)
    %dma_wait3A_899 = arith.constant 64 : i32
    %dma_wait3A_900 = tpu.memref_slice %arg9[%dma_wait3A_899] : memref<256xf32, #tpu.memory_space<vmem>> -> memref<16xf32, #tpu.memory_space<vmem>>
    %dma_wait3A_901 = tpu.memref_slice %arg5[%add3A_571] : memref<8192xf32, #tpu.memory_space<hbm>> -> memref<16xf32, #tpu.memory_space<hbm>>
    %dma_wait3A_902 = tpu.memref_slice %arg5[%add3A_571] : memref<8192xf32, #tpu.memory_space<hbm>> -> memref<16xf32, #tpu.memory_space<hbm>>
    %dma_wait3A_903 = arith.constant 64 : i32
    %dma_wait3A_904 = tpu.memref_slice %arg9[%dma_wait3A_903] : memref<256xf32, #tpu.memory_space<vmem>> -> memref<16xf32, #tpu.memory_space<vmem>>
    tpu.wait_dma2 semaphore(%arg11 : memref<!tpu.dma_semaphore, #tpu.memory_space<semaphore_mem>>) src(%dma_wait3A_904 : memref<16xf32, #tpu.memory_space<vmem>>) dst(%dma_wait3A_902 : memref<16xf32, #tpu.memory_space<hbm>>)
    %dma_wait3A_905 = arith.constant 80 : i32
    %dma_wait3A_906 = tpu.memref_slice %arg9[%dma_wait3A_905] : memref<256xf32, #tpu.memory_space<vmem>> -> memref<16xf32, #tpu.memory_space<vmem>>
    %dma_wait3A_907 = tpu.memref_slice %arg5[%add3A_598] : memref<8192xf32, #tpu.memory_space<hbm>> -> memref<16xf32, #tpu.memory_space<hbm>>
    %dma_wait3A_908 = tpu.memref_slice %arg5[%add3A_598] : memref<8192xf32, #tpu.memory_space<hbm>> -> memref<16xf32, #tpu.memory_space<hbm>>
    %dma_wait3A_909 = arith.constant 80 : i32
    %dma_wait3A_910 = tpu.memref_slice %arg9[%dma_wait3A_909] : memref<256xf32, #tpu.memory_space<vmem>> -> memref<16xf32, #tpu.memory_space<vmem>>
    tpu.wait_dma2 semaphore(%arg11 : memref<!tpu.dma_semaphore, #tpu.memory_space<semaphore_mem>>) src(%dma_wait3A_910 : memref<16xf32, #tpu.memory_space<vmem>>) dst(%dma_wait3A_908 : memref<16xf32, #tpu.memory_space<hbm>>)
    %dma_wait3A_911 = arith.constant 96 : i32
    %dma_wait3A_912 = tpu.memref_slice %arg9[%dma_wait3A_911] : memref<256xf32, #tpu.memory_space<vmem>> -> memref<16xf32, #tpu.memory_space<vmem>>
    %dma_wait3A_913 = tpu.memref_slice %arg5[%add3A_625] : memref<8192xf32, #tpu.memory_space<hbm>> -> memref<16xf32, #tpu.memory_space<hbm>>
    %dma_wait3A_914 = tpu.memref_slice %arg5[%add3A_625] : memref<8192xf32, #tpu.memory_space<hbm>> -> memref<16xf32, #tpu.memory_space<hbm>>
    %dma_wait3A_915 = arith.constant 96 : i32
    %dma_wait3A_916 = tpu.memref_slice %arg9[%dma_wait3A_915] : memref<256xf32, #tpu.memory_space<vmem>> -> memref<16xf32, #tpu.memory_space<vmem>>
    tpu.wait_dma2 semaphore(%arg11 : memref<!tpu.dma_semaphore, #tpu.memory_space<semaphore_mem>>) src(%dma_wait3A_916 : memref<16xf32, #tpu.memory_space<vmem>>) dst(%dma_wait3A_914 : memref<16xf32, #tpu.memory_space<hbm>>)
    %dma_wait3A_917 = arith.constant 112 : i32
    %dma_wait3A_918 = tpu.memref_slice %arg9[%dma_wait3A_917] : memref<256xf32, #tpu.memory_space<vmem>> -> memref<16xf32, #tpu.memory_space<vmem>>
    %dma_wait3A_919 = tpu.memref_slice %arg5[%add3A_652] : memref<8192xf32, #tpu.memory_space<hbm>> -> memref<16xf32, #tpu.memory_space<hbm>>
    %dma_wait3A_920 = tpu.memref_slice %arg5[%add3A_652] : memref<8192xf32, #tpu.memory_space<hbm>> -> memref<16xf32, #tpu.memory_space<hbm>>
    %dma_wait3A_921 = arith.constant 112 : i32
    %dma_wait3A_922 = tpu.memref_slice %arg9[%dma_wait3A_921] : memref<256xf32, #tpu.memory_space<vmem>> -> memref<16xf32, #tpu.memory_space<vmem>>
    tpu.wait_dma2 semaphore(%arg11 : memref<!tpu.dma_semaphore, #tpu.memory_space<semaphore_mem>>) src(%dma_wait3A_922 : memref<16xf32, #tpu.memory_space<vmem>>) dst(%dma_wait3A_920 : memref<16xf32, #tpu.memory_space<hbm>>)
    %dma_wait3A_923 = arith.constant 128 : i32
    %dma_wait3A_924 = tpu.memref_slice %arg9[%dma_wait3A_923] : memref<256xf32, #tpu.memory_space<vmem>> -> memref<16xf32, #tpu.memory_space<vmem>>
    %dma_wait3A_925 = tpu.memref_slice %arg5[%add3A_679] : memref<8192xf32, #tpu.memory_space<hbm>> -> memref<16xf32, #tpu.memory_space<hbm>>
    %dma_wait3A_926 = tpu.memref_slice %arg5[%add3A_679] : memref<8192xf32, #tpu.memory_space<hbm>> -> memref<16xf32, #tpu.memory_space<hbm>>
    %dma_wait3A_927 = arith.constant 128 : i32
    %dma_wait3A_928 = tpu.memref_slice %arg9[%dma_wait3A_927] : memref<256xf32, #tpu.memory_space<vmem>> -> memref<16xf32, #tpu.memory_space<vmem>>
    tpu.wait_dma2 semaphore(%arg11 : memref<!tpu.dma_semaphore, #tpu.memory_space<semaphore_mem>>) src(%dma_wait3A_928 : memref<16xf32, #tpu.memory_space<vmem>>) dst(%dma_wait3A_926 : memref<16xf32, #tpu.memory_space<hbm>>)
    %dma_wait3A_929 = arith.constant 144 : i32
    %dma_wait3A_930 = tpu.memref_slice %arg9[%dma_wait3A_929] : memref<256xf32, #tpu.memory_space<vmem>> -> memref<16xf32, #tpu.memory_space<vmem>>
    %dma_wait3A_931 = tpu.memref_slice %arg5[%add3A_706] : memref<8192xf32, #tpu.memory_space<hbm>> -> memref<16xf32, #tpu.memory_space<hbm>>
    %dma_wait3A_932 = tpu.memref_slice %arg5[%add3A_706] : memref<8192xf32, #tpu.memory_space<hbm>> -> memref<16xf32, #tpu.memory_space<hbm>>
    %dma_wait3A_933 = arith.constant 144 : i32
    %dma_wait3A_934 = tpu.memref_slice %arg9[%dma_wait3A_933] : memref<256xf32, #tpu.memory_space<vmem>> -> memref<16xf32, #tpu.memory_space<vmem>>
    tpu.wait_dma2 semaphore(%arg11 : memref<!tpu.dma_semaphore, #tpu.memory_space<semaphore_mem>>) src(%dma_wait3A_934 : memref<16xf32, #tpu.memory_space<vmem>>) dst(%dma_wait3A_932 : memref<16xf32, #tpu.memory_space<hbm>>)
    %dma_wait3A_935 = arith.constant 160 : i32
    %dma_wait3A_936 = tpu.memref_slice %arg9[%dma_wait3A_935] : memref<256xf32, #tpu.memory_space<vmem>> -> memref<16xf32, #tpu.memory_space<vmem>>
    %dma_wait3A_937 = tpu.memref_slice %arg5[%add3A_733] : memref<8192xf32, #tpu.memory_space<hbm>> -> memref<16xf32, #tpu.memory_space<hbm>>
    %dma_wait3A_938 = tpu.memref_slice %arg5[%add3A_733] : memref<8192xf32, #tpu.memory_space<hbm>> -> memref<16xf32, #tpu.memory_space<hbm>>
    %dma_wait3A_939 = arith.constant 160 : i32
    %dma_wait3A_940 = tpu.memref_slice %arg9[%dma_wait3A_939] : memref<256xf32, #tpu.memory_space<vmem>> -> memref<16xf32, #tpu.memory_space<vmem>>
    tpu.wait_dma2 semaphore(%arg11 : memref<!tpu.dma_semaphore, #tpu.memory_space<semaphore_mem>>) src(%dma_wait3A_940 : memref<16xf32, #tpu.memory_space<vmem>>) dst(%dma_wait3A_938 : memref<16xf32, #tpu.memory_space<hbm>>)
    %dma_wait3A_941 = arith.constant 176 : i32
    %dma_wait3A_942 = tpu.memref_slice %arg9[%dma_wait3A_941] : memref<256xf32, #tpu.memory_space<vmem>> -> memref<16xf32, #tpu.memory_space<vmem>>
    %dma_wait3A_943 = tpu.memref_slice %arg5[%add3A_760] : memref<8192xf32, #tpu.memory_space<hbm>> -> memref<16xf32, #tpu.memory_space<hbm>>
    %dma_wait3A_944 = tpu.memref_slice %arg5[%add3A_760] : memref<8192xf32, #tpu.memory_space<hbm>> -> memref<16xf32, #tpu.memory_space<hbm>>
    %dma_wait3A_945 = arith.constant 176 : i32
    %dma_wait3A_946 = tpu.memref_slice %arg9[%dma_wait3A_945] : memref<256xf32, #tpu.memory_space<vmem>> -> memref<16xf32, #tpu.memory_space<vmem>>
    tpu.wait_dma2 semaphore(%arg11 : memref<!tpu.dma_semaphore, #tpu.memory_space<semaphore_mem>>) src(%dma_wait3A_946 : memref<16xf32, #tpu.memory_space<vmem>>) dst(%dma_wait3A_944 : memref<16xf32, #tpu.memory_space<hbm>>)
    %dma_wait3A_947 = arith.constant 192 : i32
    %dma_wait3A_948 = tpu.memref_slice %arg9[%dma_wait3A_947] : memref<256xf32, #tpu.memory_space<vmem>> -> memref<16xf32, #tpu.memory_space<vmem>>
    %dma_wait3A_949 = tpu.memref_slice %arg5[%add3A_787] : memref<8192xf32, #tpu.memory_space<hbm>> -> memref<16xf32, #tpu.memory_space<hbm>>
    %dma_wait3A_950 = tpu.memref_slice %arg5[%add3A_787] : memref<8192xf32, #tpu.memory_space<hbm>> -> memref<16xf32, #tpu.memory_space<hbm>>
    %dma_wait3A_951 = arith.constant 192 : i32
    %dma_wait3A_952 = tpu.memref_slice %arg9[%dma_wait3A_951] : memref<256xf32, #tpu.memory_space<vmem>> -> memref<16xf32, #tpu.memory_space<vmem>>
    tpu.wait_dma2 semaphore(%arg11 : memref<!tpu.dma_semaphore, #tpu.memory_space<semaphore_mem>>) src(%dma_wait3A_952 : memref<16xf32, #tpu.memory_space<vmem>>) dst(%dma_wait3A_950 : memref<16xf32, #tpu.memory_space<hbm>>)
    %dma_wait3A_953 = arith.constant 208 : i32
    %dma_wait3A_954 = tpu.memref_slice %arg9[%dma_wait3A_953] : memref<256xf32, #tpu.memory_space<vmem>> -> memref<16xf32, #tpu.memory_space<vmem>>
    %dma_wait3A_955 = tpu.memref_slice %arg5[%add3A_814] : memref<8192xf32, #tpu.memory_space<hbm>> -> memref<16xf32, #tpu.memory_space<hbm>>
    %dma_wait3A_956 = tpu.memref_slice %arg5[%add3A_814] : memref<8192xf32, #tpu.memory_space<hbm>> -> memref<16xf32, #tpu.memory_space<hbm>>
    %dma_wait3A_957 = arith.constant 208 : i32
    %dma_wait3A_958 = tpu.memref_slice %arg9[%dma_wait3A_957] : memref<256xf32, #tpu.memory_space<vmem>> -> memref<16xf32, #tpu.memory_space<vmem>>
    tpu.wait_dma2 semaphore(%arg11 : memref<!tpu.dma_semaphore, #tpu.memory_space<semaphore_mem>>) src(%dma_wait3A_958 : memref<16xf32, #tpu.memory_space<vmem>>) dst(%dma_wait3A_956 : memref<16xf32, #tpu.memory_space<hbm>>)
    %dma_wait3A_959 = arith.constant 224 : i32
    %dma_wait3A_960 = tpu.memref_slice %arg9[%dma_wait3A_959] : memref<256xf32, #tpu.memory_space<vmem>> -> memref<16xf32, #tpu.memory_space<vmem>>
    %dma_wait3A_961 = tpu.memref_slice %arg5[%add3A_841] : memref<8192xf32, #tpu.memory_space<hbm>> -> memref<16xf32, #tpu.memory_space<hbm>>
    %dma_wait3A_962 = tpu.memref_slice %arg5[%add3A_841] : memref<8192xf32, #tpu.memory_space<hbm>> -> memref<16xf32, #tpu.memory_space<hbm>>
    %dma_wait3A_963 = arith.constant 224 : i32
    %dma_wait3A_964 = tpu.memref_slice %arg9[%dma_wait3A_963] : memref<256xf32, #tpu.memory_space<vmem>> -> memref<16xf32, #tpu.memory_space<vmem>>
    tpu.wait_dma2 semaphore(%arg11 : memref<!tpu.dma_semaphore, #tpu.memory_space<semaphore_mem>>) src(%dma_wait3A_964 : memref<16xf32, #tpu.memory_space<vmem>>) dst(%dma_wait3A_962 : memref<16xf32, #tpu.memory_space<hbm>>)
    %dma_wait3A_965 = arith.constant 240 : i32
    %dma_wait3A_966 = tpu.memref_slice %arg9[%dma_wait3A_965] : memref<256xf32, #tpu.memory_space<vmem>> -> memref<16xf32, #tpu.memory_space<vmem>>
    %dma_wait3A_967 = tpu.memref_slice %arg5[%add3A_868] : memref<8192xf32, #tpu.memory_space<hbm>> -> memref<16xf32, #tpu.memory_space<hbm>>
    %dma_wait3A_968 = tpu.memref_slice %arg5[%add3A_868] : memref<8192xf32, #tpu.memory_space<hbm>> -> memref<16xf32, #tpu.memory_space<hbm>>
    %dma_wait3A_969 = arith.constant 240 : i32
    %dma_wait3A_970 = tpu.memref_slice %arg9[%dma_wait3A_969] : memref<256xf32, #tpu.memory_space<vmem>> -> memref<16xf32, #tpu.memory_space<vmem>>
    tpu.wait_dma2 semaphore(%arg11 : memref<!tpu.dma_semaphore, #tpu.memory_space<semaphore_mem>>) src(%dma_wait3A_970 : memref<16xf32, #tpu.memory_space<vmem>>) dst(%dma_wait3A_968 : memref<16xf32, #tpu.memory_space<hbm>>)
    return
  }
}

</mosaic_0001>

<sc_bundles>
// kernel: kernel.3.cloned.1.call-start
scs
__scs_entry_jumppad:
0x0: {  	(pc) =	sbr.rel $0x88, $3  }
0x1: {  	(tag) =	ssettag $0x0;
	lr =	simm.s32 $0x1  }
0x2: {  	[smem:$0x3F9E] =	sst lr;
	_ =	strace $0xD0000000  }
0x3: {  	_ = 	snop  }
0x4: {  	_ = 	snop  }
0x5: {  	_ = 	snop  }
0x6: {  	_ = 	snop  }
0x7: {  	_ = 	snop  }
__scs_overlays_trampoline_lowered:
0x8: {  	[smem:$0x3FAD] =	sst s0  }
0x9: {  	[smem:$0x3FAE] =	sst s1  }
0xa: {  	[smem:$0x3FAF] =	sst s2  }
0xb: {  	[smem:$0x3FB0] =	sst s3  }
0xc: {  	[smem:$0x3FB1] =	sst s4  }
0xd: {  	[smem:$0x3FB2] =	sst s5  }
0xe: {  	[smem:$0x3FB3] =	sst s6  }
0xf: {  	[smem:$0x3FB4] =	sst s7  }
0x10: {  	[smem:$0x3FB5] =	sst s8  }
0x11: {  	[smem:$0x3FB6] =	sst s9;
	s0 =	simm.s32 @!p0 $0x0  }
0x12: {  	s1 =	sld [smem:$0x3F9C];
	s0 =	simm.s32 @p0 $0x1  }
0x13: {  	[smem:$0x3FB7] =	sst s0;
	s0 =	simm.s32 @!p1 $0x0  }
0x14: {  	s2 =	sld [smem:$0x3F9B];
	s0 =	simm.s32 @p1 $0x1  }
0x15: {  	[smem:$0x3FB8] =	sst s0;
	s0 =	simm.s32 @!p2 $0x0  }
0x16: {  	s3 =	sld [smem:$0x3FDB];
	s0 =	simm.s32 @p2 $0x1  }
0x17: {  	s4 =	simm.s32 $0x1BF5;
	[smem:$0x3FBA] =	sst s0  }
0x18: {  	s0 =	sld [smem:$0x3F9D];
	_ =	swait.ge [sflag:s4], $0x0  }
0x19: {  	s7 =	sld [smem:$0x3F9E]  }
0x1a: {  	s8 =	sadd.s32 $0xFFFFE003, lr  }
0x1b: {  	s9 =	sadd.s32 $0xFFFFFEF7, lr;
	s5 =	simm.s32 $0xFFFFFFFF;
	p2 =	slt.u32 s8, $0xFFFFF086  }
0x1c: {  	p1 =	slt.u32 s9, $0xF7A;
	s5 =	simm.s32 @!p2 $0x0  }
0x1d: {  	s5 =	simm.s32 @p1 $0x1;
	p0 =	seq.s32 s7, s2  }
0x1e: {  	s7 =	smul.u32 @!p0 $0xF7A, s2;
	p2 =	seq.s32 @!p0 s5, $0x0  }
0x1f: {  	s9 =	smul.u32 $0xF7A, s1;
	s8 =	simm.s32 @!p0 $0x1BF5;
	p2 =	por !p2, p0  }
0x20: {  	[sflag:s8] =	ssyncset.s32 @!p0 $0xFFFFF086;
	s6 =	sadd.s32 @!p0 s3, s7;
	s7 =	simm.s32 @!p0 $0x108  }
0x21: {  	s3 =	sadd.s32 s3, s9;
	s6 =	sadd.s32 @!p0 $0x88, s6;
	s7 =	simm.s32 @p2 $0x1082  }
0x22: {  	[simem:s7], [sflag:s8] =	dma.local @!p0 [hbm:s6], $0xF7A  }
0x23: {  	s9 =	sor.u32 $0xD0000000, s2;
	s6 =	simm.s32 $0x108;
	_ =	swait.ge @!p0 [sflag:s8], $0x0  }
0x24: {  	s3 =	sadd.s32 $0x88, s3;
	s6 =	simm.s32 @!p1 $0x1082;
	[sflag:s4] =	ssyncset.s32 $0xFFFFF086  }
0x25: {  	[simem:s6], [sflag:s4] =	dma.local [hbm:s3], $0xF7A  }
0x26: {  	[smem:$0x3F9E] =	sst s1;
	(tag) =	ssettag s2;
	_ =	strace s9  }
0x27: {  	s1 =	sld [smem:$0x3FAE]  }
0x28: {  	s2 =	sld [smem:$0x3FAF]  }
0x29: {  	s4 =	sld [smem:$0x3FB1]  }
0x2a: {  	p0 =	seq.s32 s5, $0x0;
	s5 =	sld [smem:$0x3FB2]  }
0x2b: {  	s6 =	sld [smem:$0x3FB3]  }
0x2c: {  	s7 =	sld [smem:$0x3FB4]  }
0x2d: {  	s3 =	simm.s32 $0x108;
	s8 =	sld [smem:$0x3FB5]  }
0x2e: {  	s3 =	simm.s32 @!p0 $0x1082;
	s9 =	sld [smem:$0x3FB6]  }
0x2f: {  	lr =	sadd.s32 s0, s3;
	s0 =	sld [smem:$0x3FAD]  }
0x30: {  	s3 =	sld [smem:$0x3FB0]  }
0x31: {  	[smem:$0x3FB9] =	sst s10  }
0x32: {  	s10 =	sld [smem:$0x3FB7];
	_ =	sdelay $0x3  }
0x33: {  	p0 =	seq.s32 s10, $0x1;
	s10 =	sld [smem:$0x3FB9];
	_ =	sdelay $0x3  }
0x34: {  	[smem:$0x3FB9] =	sst s10  }
0x35: {  	s10 =	sld [smem:$0x3FB8];
	_ =	sdelay $0x3  }
0x36: {  	p1 =	seq.s32 s10, $0x1;
	s10 =	sld [smem:$0x3FB9];
	_ =	sdelay $0x3  }
0x37: {  	[smem:$0x3FB9] =	sst s10  }
0x38: {  	s10 =	sld [smem:$0x3FBA]  }
0x39: {  	_ = 	snop;
	(pc) =	sbr.ind lr, $3  }
0x3a: {  	_ = 	snop  }
0x3b: {  	_ = 	snop  }
0x3c: {  	p2 =	seq.s32 s10, $0x1;
	s10 =	sld [smem:$0x3FB9]  }
0x3d: {  	_ =	shalt  }
0x3e: {  	_ =	shalt  }
0x3f: {  	_ =	shalt  }
0x40: {  	_ =	shalt  }
0x41: {  	_ =	shalt  }
0x42: {  	_ =	shalt  }
0x43: {  	_ =	shalt  }
0x44: {  	_ =	shalt  }
0x45: {  	_ =	shalt  }
0x46: {  	_ =	shalt  }
0x47: {  	_ =	shalt  }
0x48: {  	_ =	shalt  }
0x49: {  	_ =	shalt  }
0x4a: {  	_ =	shalt  }
0x4b: {  	_ =	shalt  }
0x4c: {  	_ =	shalt  }
0x4d: {  	_ =	shalt  }
0x4e: {  	_ =	shalt  }
0x4f: {  	_ =	shalt  }
0x50: {  	_ =	shalt  }
0x51: {  	_ =	shalt  }
0x52: {  	_ =	shalt  }
0x53: {  	_ =	shalt  }
0x54: {  	_ =	shalt  }
0x55: {  	_ =	shalt  }
0x56: {  	_ =	shalt  }
0x57: {  	_ =	shalt  }
0x58: {  	_ =	shalt  }
0x59: {  	_ =	shalt  }
0x5a: {  	_ =	shalt  }
0x5b: {  	_ =	shalt  }
0x5c: {  	_ =	shalt  }
0x5d: {  	_ =	shalt  }
0x5e: {  	_ =	shalt  }
0x5f: {  	_ =	shalt  }
0x60: {  	_ =	shalt  }
0x61: {  	_ =	shalt  }
0x62: {  	_ =	shalt  }
0x63: {  	_ =	shalt  }
0x64: {  	_ =	shalt  }
0x65: {  	_ =	shalt  }
0x66: {  	_ =	shalt  }
0x67: {  	_ =	shalt  }
0x68: {  	_ =	shalt  }
0x69: {  	_ =	shalt  }
0x6a: {  	_ =	shalt  }
0x6b: {  	_ =	shalt  }
0x6c: {  	_ =	shalt  }
0x6d: {  	_ =	shalt  }
0x6e: {  	_ =	shalt  }
0x6f: {  	_ =	shalt  }
0x70: {  	_ =	shalt  }
0x71: {  	_ =	shalt  }
0x72: {  	_ =	shalt  }
0x73: {  	_ =	shalt  }
0x74: {  	_ =	shalt  }
0x75: {  	_ =	shalt  }
0x76: {  	_ =	shalt  }
0x77: {  	_ =	shalt  }
0x78: {  	_ =	shalt  }
0x79: {  	_ =	shalt  }
0x7a: {  	_ =	shalt  }
0x7b: {  	_ =	shalt  }
0x7c: {  	_ =	shalt  }
0x7d: {  	_ =	shalt  }
0x7e: {  	_ =	shalt  }
0x7f: {  	_ =	shalt  }
0x80: {  	_ =	shalt  }
0x81: {  	_ =	shalt  }
0x82: {  	_ =	shalt  }
0x83: {  	_ =	shalt  }
0x84: {  	_ =	shalt  }
0x85: {  	_ =	shalt  }
0x86: {  	_ =	shalt  }
0x87: {  	_ =	shalt  }
.Lfunc_end0:
.L_simem_size_0:
called_computation_lowered:
.L_overlay_start_0:
0x88: {  	s2 =	sld [smem:$0x3FD9]  }
0x89: {  	s3 =	sld [smem:$0x3FFE];
	_ =	sdelay $0x1  }
0x8a: {  	s1 =	srdreg.scid  }
0x8b: {  	s0 =	sand.u32 $0x1, s1  }
0x8c: {  	s18 =	sshll.u32 s0, $0xA;
	s2 =	sadd.s32 s3, s2  }
0x8d: {  	s2 =	sadd.s32 s2, s18  }
0x8e: {  	[smem:$0x3FC5] =	sst s2  }
0x8f: {  	_ = 	snop  }
0x90: {  	s2 =	sld [smem:$0x3FC9]  }
0x91: {  	s19 =	sld [smem:$0x3FC8]  }
0x92: {  	s4 =	sld [smem:$0x3FC7]  }
0x93: {  	s5 =	sld [smem:$0x3FD0];
	(tm) =	ssettm $0x1  }
0x94: {  	s6 =	sld [smem:$0x3FFB];
	_ =	sdelay $0x3  }
0x95: {  	_ =	strace s6  }
0x96: {  	s6 =	sld [smem:$0x3FFC];
	_ =	sdelay $0x3  }
0x97: {  	_ =	strace s6  }
0x98: {  	s6 =	sld [smem:$0x3FFD];
	_ =	sdelay $0x3  }
0x99: {  	_ =	strace s6  }
0x9a: {  	_ =	strace $0x8FFFFFFF  }
0x9b: {  	s20 =	sld [smem:$0x3FDB];
	_ =	sdelay $0x1  }
0x9c: {  	s7 =	simm.s32 $_scs_section_size  }
0x9d: {  	s8 =	simm.s32 $_size__tile_overlayer_lowered;
	s9 =	simm.s32 $_tile_overlayer_lowered  }
0x9e: {  	s23 =	simm.s32 $0x1BFF;
	s22 =	sshll.u32 s9, $0x1;
	s6 =	sadd.s32 s7, s20  }
0x9f: {  	s10 =	simm.s32 $0x0;
	s21 =	sshll.u32 s8, $0x1;
	s8 =	sadd.s32 s22, s6  }
0xa0: {  	[timem:s10], [sflag:s23] =	dma.local [hbm:s8], s21  }
0xa1: {  	_ =	swait.ge [sflag:s23], s21  }
0xa2: {  	s7 =	ssub.s32 $0x0, s21;
	[sflag:s23] =	ssyncset.done $0x0  }
0xa3: {  	[sflag:s23] =	ssyncadd.s32 s7;
	_ =	sdelay $0x1  }
0xa4: {  	s24 =	simm.s32 $0x1B8B  }
0xa5: {  	_ =	swait.ge [sflag:s24], $0x1  }
0xa6: {  	[sflag:s24] =	ssyncset.done $0x0  }
0xa7: {  	s25 =	simm.s32 $0x1B8E;
	[sflag:s24] =	ssyncadd.s32 $0xFFFFFFFF  }
0xa8: {  	s26 =	simm.s32 $execute0_lowered;
	[smem:$0x3FD2] =	sst s25  }
0xa9: {  	s7 =	sshll.u32 s26, $0x1;
	_ =	strace $0x80000046;
	[dreg:$0x1] =	wrdreg $0xFFFFFFFF  }
0xaa: {  	s28 =	simm.s32 $_size_execute0_lowered;
	s6 =	sadd.s32 s6, s7;
	[dreg:$0x0] =	wrdreg $0x0  }
0xab: {  	s7 =	sshll.u32 s28, $0x1;
	[dreg:$0x2] =	wrdreg s6  }
0xac: {  	[dreg:$0x3] =	wrdreg s7  }
0xad: {  	[dreg:$0x4] =	wrdreg $0xC0  }
0xae: {  	_ =	task [dreg:s10], $0x5FFFF  }
0xaf: {  	[dreg:$0x1] =	wrdreg $0xFFFFFFFF  }
0xb0: {  	[dreg:$0x0] =	wrdreg $0x60  }
0xb1: {  	[dreg:$0x2] =	wrdreg s2  }
0xb2: {  	[dreg:$0x3] =	wrdreg s19  }
0xb3: {  	[dreg:$0x4] =	wrdreg s4  }
0xb4: {  	[dreg:$0x5] =	wrdreg s5  }
0xb5: {  	[dreg:$0x6] =	wrdreg $0x9  }
0xb6: {  	_ =	task.clear_ibuf [dreg:s10], $0x7FFFF;
	_ =	strace $0x90000046  }
0xb7: {  	s29 =	simm.s32 $0x9;
	_ =	strace $0x80000048  }
0xb8: {  	_ =	swait.ge [sflag:s29], $0x1  }
0xb9: {  	[sflag:s29] =	ssyncadd.s32 $0xFFFFFFFF  }
0xba: {  	_ =	strace $0x90000048  }
0xbb: {  	_ =	sfence  }
0xbc: {  	s30 =	sld [smem:$0x0];
	_ =	sdelay $0x2  }
0xbd: {  	s31 =	sshll.u32 s1, $0xD;
	s1 =	sshrl.u32 s1, $0x2  }
0xbe: {  	s3 =	sand.u32 $0x4000, s31;
	s1 =	sadd.s32 s1, s30  }
0xbf: {  	s0 =	sor.u32 s3, s0;
	s1 =	sshll.u32 s1, $0x11  }
0xc0: {  	s0 =	sor.u32 s1, s0  }
0xc1: {  	s0 =	sadd.s32 $0x8F2B, s0  }
0xc2: {  	[sflag:s0] =	ssyncadd.remote.s32 $0x1  }
0xc3: {  	_ =	sfence.sel $0xFFFF  }
0xc4: {  	[dreg:$0x0] =	wrdreg $0xFFFFFFFF;
	(pc) =	sbr.abs _section_cstart, $3  }
0xc5: {  	[dreg:$0x1] =	wrdreg $0xFFFFFFFF  }
0xc6: {  	_ =	task.clear_ibuf [dreg:s10], $0x2FFFF;
	_ =	strace $0x9FFFFFFF  }
0xc7: {  	(tm) =	ssettm $0x7FFFFFFF  }
tec
execute0_lowered:
.L_overlay_start_1:
0x0: {  	(tag) =	ssettag $0x1  }
0x1: {  	s1 =	rddreg [dreg:$0x0]  }
0x2: {  	s0 =	rddreg [dreg:$0x1]  }
0x3: {  	s14 =	rddreg [dreg:$0x2]  }
0x4: {  	s9 =	rddreg [dreg:$0x3]  }
0x5: {  	s15 =	srdreg.scid;
	s3 =	simm.s32 $0x0;
	s2 =	stileid.u32  }
0x6: {  	s28 =	simm.s32 $0x8230;
	s29 =	simm.s32 $0x8240;
	s30 =	simm.s32 $0x8250  }
0x7: {  	s31 =	simm.s32 $0x8260;
	[dreg:$0x5] =	wrdreg s0;
	s0 =	sand.u32 $0x1, s15  }
0x8: {  	[dreg:$0x6] =	wrdreg s14;
	s4 =	sshll.u32 s2, $0x9;
	s5 =	sshll.u32 s0, $0x8  }
0x9: {  	[smem:$0x7FF] =	sst s3;
	s16 =	ssub.s32 $0x2, s0;
	s10 =	sor.u32 s5, s4  }
0xa: {  	_ =	strace $0x80000047;
	s18 =	sshrl.u32 s16, $0x1;
	s17 =	sshrl.u32 s10, $0x7  }
0xb: {  	s11 =	sor.u32 $0x80, s10;
	s5 =	ssub.s32 s16, s18;
	s12 =	sor.u32 $0x90, s10  }
0xc: {  	s13 =	sor.u32 $0xA0, s10;
	s8 =	sshrl.u32 s10, $0x3;
	s18 =	sor.u32 $0xD0, s10  }
0xd: {  	s0 =	smul.u32 $0xC8, s17;
	s6 =	sshrl.u32 s11, $0x7;
	s19 =	sshrl.u32 s12, $0x7  }
0xe: {  	s14 =	sshrl.u32 s13, $0x7;
	s4 =	sadd.s32 s9, s8;
	s17 =	sor.u32 $0xC0, s10  }
0xf: {  	s11 =	sshrl.u32 s11, $0x3;
	s12 =	sshrl.u32 s12, $0x3;
	s15 =	sadd.s32 $0x2, s4  }
0x10: {  	s2 =	sshrl.u32 s13, $0x3;
	s20 =	sadd.s32 $0x4, s4;
	[dreg:$0x7] =	wrdreg s15  }
0x11: {  	s5 =	smax.u32 s5, $0x1;
	s21 =	sadd.s32 $0x6, s4;
	[dreg:$0x8] =	wrdreg s20  }
0x12: {  	s6 =	smul.u32 $0xC8, s6;
	s22 =	sadd.s32 $0x8, s4;
	[dreg:$0x9] =	wrdreg s21  }
0x13: {  	s7 =	smul.u32 $0xC8, s19;
	s23 =	sadd.s32 $0xA, s4;
	[dreg:$0xa] =	wrdreg s22  }
0x14: {  	s8 =	smul.u32 $0xC8, s14;
	s24 =	sadd.s32 $0xC, s4;
	[dreg:$0xb] =	wrdreg s23  }
0x15: {  	s14 =	sor.u32 $0xB0, s10;
	s25 =	sadd.s32 $0xE, s4;
	[dreg:$0xc] =	wrdreg s24  }
0x16: {  	s19 =	sor.u32 $0xE0, s10;
	s11 =	sadd.s32 s9, s11;
	[dreg:$0xd] =	wrdreg s25  }
0x17: {  	s10 =	sor.u32 $0xF0, s10;
	s26 =	sadd.s32 s9, s12;
	[dreg:$0xe] =	wrdreg s11  }
0x18: {  	s13 =	sadd.s32 s9, s2;
	s12 =	sshrl.u32 s17, $0x7;
	[dreg:$0xf] =	wrdreg s26  }
0x19: {  	s16 =	sshrl.u32 s14, $0x7;
	s14 =	sshrl.u32 s14, $0x3;
	[dreg:$0x10] =	wrdreg s13  }
0x1a: {  	s20 =	sshrl.u32 s17, $0x3;
	s22 =	sshrl.u32 s18, $0x3;
	s24 =	sshrl.u32 s19, $0x3  }
0x1b: {  	s26 =	sshrl.u32 s10, $0x3;
	s11 =	smul.u32 $0xC8, s12;
	s17 =	simm.s32 $0x1180  }
0x1c: {  	s10 =	sshrl.u32 s10, $0x7;
	v0 =	vmov s0;
	s13 =	simm.s32 $0x7180;
	s0 =	simm.s32 $0x8270  }
0x1d: {  	s15 =	sadd.s32 s9, s14;
	s21 =	sadd.s32 s9, s20;
	s23 =	sadd.s32 s9, s22  }
0x1e: {  	s25 =	sadd.s32 s9, s24;
	s2 =	smul.u32 $0xC8, s16;
	[dreg:$0x18] =	wrdreg s17  }
0x1f: {  	s9 =	sadd.s32 s9, s26;
	s14 =	simm.s32 $0x80;
	[dreg:$0x11] =	wrdreg s15  }
0x20: {  	s16 =	sshrl.u32 s18, $0x7;
	s18 =	simm.s32 $0x1980;
	[dreg:$0x12] =	wrdreg s21  }
0x21: {  	s20 =	sshrl.u32 s19, $0x7;
	s22 =	simm.s32 $0x2980;
	[dreg:$0x13] =	wrdreg s23  }
0x22: {  	s24 =	smul.u32 $0xC8, s10;
	s26 =	simm.s32 $0x4180;
	[dreg:$0x14] =	wrdreg s25  }
0x23: {  	v1 =	vmov s6;
	v2 =	vmov s7;
	s6 =	simm.s32 $0x1;
	s7 =	simm.s32 $0x180;
	[dreg:$0x15] =	wrdreg s9  }
0x24: {  	v7 =	vlaneseq.u32;
	s10 =	simm.s32 $0x5980;
	s17 =	simm.s32 $0x8190;
	[dreg:$0x16] =	wrdreg s14  }
0x25: {  	v7 =	vmul.u32 $0x80, v7;
	s19 =	simm.s32 $0x81B0;
	s15 =	simm.s32 $0x980;
	[dreg:$0x19] =	wrdreg s18  }
0x26: {  	vm0 =	vmmov $0xffff;
	s12 =	smul.u32 $0xC8, s16;
	s21 =	simm.s32 $0x2180;
	[dreg:$0x1b] =	wrdreg s22  }
0x27: {  	v10 =	vor.u32 $0x800, v7;
	v11 =	vor.u32 $0x1000, v7;
	v12 =	vor.u32 $0x1800, v7;
	s14 =	smul.u32 $0xC8, s20;
	s23 =	simm.s32 $0x3180;
	[dreg:$0x1e] =	wrdreg s26  }
0x28: {  	v13 =	vor.u32 $0x2000, v7;
	v14 =	vor.u32 $0x2800, v7;
	s25 =	simm.s32 $0x3980;
	v5 =	vmov s11;
	s11 =	simm.s32 $0x6180;
	[dreg:$0x17] =	wrdreg s15  }
0x29: {  	v15 =	vor.u32 $0x3000, v7;
	v16 =	vor.u32 $0x3800, v7;
	v17 =	vor.u32 $0x4000, v7;
	s16 =	simm.s32 $0x8180;
	s18 =	simm.s32 $0x81A0;
	[dreg:$0x1a] =	wrdreg s21  }
0x2a: {  	v18 =	vor.u32 $0x4800, v7;
	v19 =	vor.u32 $0x5000, v7;
	v20 =	vor.u32 $0x5800, v7;
	s20 =	simm.s32 $0x81C0;
	s22 =	simm.s32 $0x81E0;
	[dreg:$0x1c] =	wrdreg s23  }
0x2b: {  	v21 =	vor.u32 $0x6000, v7;
	v22 =	vor.u32 $0x6800, v7;
	v23 =	vor.u32 $0x7000, v7;
	s26 =	simm.s32 $0x8220;
	[dreg:$0x1d] =	wrdreg s25;
	s15 =	simm.s32 $0x2  }
0x2c: {  	v24 =	vor.u32 $0x7800, v7;
	v3 =	vmov s8;
	v9 =	vmov s24;
	s21 =	simm.s32 $0x81D0;
	s23 =	simm.s32 $0x81F0;
	s24 =	simm.s32 $0x8200  }
0x2d: {  	v4 =	vmov s2;
	s25 =	simm.s32 $0x8210;
	v6 =	vmov s12;
	s12 =	simm.s32 $0x6980;
	v8 =	vmov s14;
	s14 =	simm.s32 $0x7980  }
.LBB2_1:
0x2e: {  	s2 =	rddreg [dreg:$0x5]  }
0x2f: {  	s8 =	rddreg [dreg:$0x6]  }
0x30: {  	[tilespmem:s3], [sflag:$0x2] =	stream.linear.gather [hbm4b:s2+s3], $0x80, $0x38;
	[tilespmem:$0x8280] =	vst v63  }
0x31: {  	s9 =	rddreg [dreg:$0x16]  }
0x32: {  	[tilespmem:s9], [sflag:$0x1] =	stream.linear.gather [hbm4b:s8+s3], $0x100, $0x38;
	[tilespmem:$0x8280] =	vst v63  }
0x33: {  	_ =	swait.ge [sflag:s6], $0x100  }
0x34: {  	[sflag:s6] =	ssyncset.done $0x0  }
0x35: {  	[sflag:s6] =	ssyncadd.s32 $0xFFFFFF00  }
0x36: {  	v25 =	vld [tilespmem:$0x80];
	_ =	sdelay $0x2  }
0x37: {  	v26 =	vld [tilespmem:$0x100];
	_ =	sdelay $0x1  }
0x38: {  	v25 =	vadd.s32 v0, v25  }
0x39: {  	v25 =	vmul.u32 $0xC8, v25;
	_ =	sdelay $0x1  }
0x3a: {  	v25 =	vadd.s32 v26, v25;
	_ =	sdelay $0x4  }
0x3b: {  	[tilespmem:s7], [sflag:$0x1] =	stream.indirect_vreg.gather [hbm4b:s1+s3], $0x80, v25, vm0, $0xb8;
	[tilespmem:$0x8280] =	vst v63  }
0x3c: {  	v25 =	vld [tilespmem:$0x90];
	_ =	sdelay $0x2  }
0x3d: {  	v26 =	vld [tilespmem:$0x110];
	_ =	sdelay $0x1  }
0x3e: {  	v25 =	vadd.s32 v0, v25  }
0x3f: {  	v25 =	vmul.u32 $0xC8, v25;
	_ =	sdelay $0x1  }
0x40: {  	v25 =	vadd.s32 v26, v25;
	_ =	sdelay $0x3  }
0x41: {  	s9 =	rddreg [dreg:$0x17]  }
0x42: {  	[tilespmem:s9], [sflag:$0x1] =	stream.indirect_vreg.gather [hbm4b:s1+s3], $0x80, v25, vm0, $0xb8;
	[tilespmem:$0x8280] =	vst v63  }
0x43: {  	v25 =	vld [tilespmem:$0xA0];
	_ =	sdelay $0x2  }
0x44: {  	v26 =	vld [tilespmem:$0x120];
	_ =	sdelay $0x1  }
0x45: {  	v25 =	vadd.s32 v0, v25  }
0x46: {  	v25 =	vmul.u32 $0xC8, v25;
	_ =	sdelay $0x1  }
0x47: {  	v25 =	vadd.s32 v26, v25;
	_ =	sdelay $0x3  }
0x48: {  	s8 =	rddreg [dreg:$0x18]  }
0x49: {  	[tilespmem:s8], [sflag:$0x1] =	stream.indirect_vreg.gather [hbm4b:s1+s3], $0x80, v25, vm0, $0xb8;
	[tilespmem:$0x8280] =	vst v63  }
0x4a: {  	v25 =	vld [tilespmem:$0xB0];
	_ =	sdelay $0x2  }
0x4b: {  	v26 =	vld [tilespmem:$0x130];
	_ =	sdelay $0x1  }
0x4c: {  	v25 =	vadd.s32 v0, v25  }
0x4d: {  	v25 =	vmul.u32 $0xC8, v25;
	_ =	sdelay $0x1  }
0x4e: {  	v25 =	vadd.s32 v26, v25;
	_ =	sdelay $0x3  }
0x4f: {  	s9 =	rddreg [dreg:$0x19]  }
0x50: {  	[tilespmem:s9], [sflag:$0x1] =	stream.indirect_vreg.gather [hbm4b:s1+s3], $0x80, v25, vm0, $0xb8;
	[tilespmem:$0x8280] =	vst v63  }
0x51: {  	v25 =	vld [tilespmem:$0xC0];
	_ =	sdelay $0x2  }
0x52: {  	v26 =	vld [tilespmem:$0x140];
	_ =	sdelay $0x1  }
0x53: {  	v25 =	vadd.s32 v0, v25  }
0x54: {  	v25 =	vmul.u32 $0xC8, v25;
	_ =	sdelay $0x1  }
0x55: {  	v25 =	vadd.s32 v26, v25;
	_ =	sdelay $0x3  }
0x56: {  	s8 =	rddreg [dreg:$0x1a]  }
0x57: {  	[tilespmem:s8], [sflag:$0x1] =	stream.indirect_vreg.gather [hbm4b:s1+s3], $0x80, v25, vm0, $0xb8;
	[tilespmem:$0x8280] =	vst v63  }
0x58: {  	v25 =	vld [tilespmem:$0xD0];
	_ =	sdelay $0x2  }
0x59: {  	v26 =	vld [tilespmem:$0x150];
	_ =	sdelay $0x1  }
0x5a: {  	v25 =	vadd.s32 v0, v25  }
0x5b: {  	v25 =	vmul.u32 $0xC8, v25;
	_ =	sdelay $0x1  }
0x5c: {  	v25 =	vadd.s32 v26, v25;
	_ =	sdelay $0x3  }
0x5d: {  	s9 =	rddreg [dreg:$0x1b]  }
0x5e: {  	[tilespmem:s9], [sflag:$0x1] =	stream.indirect_vreg.gather [hbm4b:s1+s3], $0x80, v25, vm0, $0xb8;
	[tilespmem:$0x8280] =	vst v63  }
0x5f: {  	v25 =	vld [tilespmem:$0xE0];
	_ =	sdelay $0x2  }
0x60: {  	v26 =	vld [tilespmem:$0x160];
	_ =	sdelay $0x1  }
0x61: {  	v25 =	vadd.s32 v0, v25  }
0x62: {  	v25 =	vmul.u32 $0xC8, v25;
	_ =	sdelay $0x1  }
0x63: {  	v25 =	vadd.s32 v26, v25;
	_ =	sdelay $0x3  }
0x64: {  	s8 =	rddreg [dreg:$0x1c]  }
0x65: {  	[tilespmem:s8], [sflag:$0x1] =	stream.indirect_vreg.gather [hbm4b:s1+s3], $0x80, v25, vm0, $0xb8;
	[tilespmem:$0x8280] =	vst v63  }
0x66: {  	v25 =	vld [tilespmem:$0xF0];
	_ =	sdelay $0x2  }
0x67: {  	v26 =	vld [tilespmem:$0x170];
	_ =	sdelay $0x1  }
0x68: {  	v25 =	vadd.s32 v0, v25  }
0x69: {  	v25 =	vmul.u32 $0xC8, v25;
	_ =	sdelay $0x1  }
0x6a: {  	v25 =	vadd.s32 v26, v25;
	_ =	sdelay $0x3  }
0x6b: {  	s9 =	rddreg [dreg:$0x1d]  }
0x6c: {  	[tilespmem:s9], [sflag:$0x1] =	stream.indirect_vreg.gather [hbm4b:s1+s3], $0x80, v25, vm0, $0xb8;
	[tilespmem:$0x8280] =	vst v63  }
0x6d: {  	v25 =	vld [tilespmem:$0x80];
	_ =	sdelay $0x2  }
0x6e: {  	v26 =	vld [tilespmem:$0x100];
	_ =	sdelay $0x1  }
0x6f: {  	v25 =	vadd.s32 v1, v25  }
0x70: {  	v25 =	vmul.u32 $0xC8, v25;
	_ =	sdelay $0x1  }
0x71: {  	v25 =	vadd.s32 v26, v25;
	_ =	sdelay $0x3  }
0x72: {  	s8 =	rddreg [dreg:$0x1e]  }
0x73: {  	[tilespmem:s8], [sflag:$0x1] =	stream.indirect_vreg.gather [hbm4b:s1+s3], $0x80, v25, vm0, $0xb8;
	[tilespmem:$0x8280] =	vst v63  }
0x74: {  	v25 =	vld [tilespmem:$0x90];
	_ =	sdelay $0x2  }
0x75: {  	v26 =	vld [tilespmem:$0x110];
	_ =	sdelay $0x1  }
0x76: {  	v25 =	vadd.s32 v2, v25  }
0x77: {  	v25 =	vmul.u32 $0xC8, v25;
	_ =	sdelay $0x1  }
0x78: {  	v25 =	vadd.s32 v26, v25;
	_ =	sdelay $0x3  }
0x79: {  	s9 =	simm.s32 $0x4980  }
0x7a: {  	[tilespmem:s9], [sflag:$0x1] =	stream.indirect_vreg.gather [hbm4b:s1+s3], $0x80, v25, vm0, $0xb8;
	[tilespmem:$0x8280] =	vst v63  }
0x7b: {  	v25 =	vld [tilespmem:$0xA0];
	_ =	sdelay $0x2  }
0x7c: {  	v26 =	vld [tilespmem:$0x120];
	_ =	sdelay $0x1  }
0x7d: {  	v25 =	vadd.s32 v3, v25  }
0x7e: {  	v25 =	vmul.u32 $0xC8, v25;
	_ =	sdelay $0x1  }
0x7f: {  	v25 =	vadd.s32 v26, v25;
	_ =	sdelay $0x3  }
0x80: {  	s8 =	simm.s32 $0x5180  }
0x81: {  	[tilespmem:s8], [sflag:$0x1] =	stream.indirect_vreg.gather [hbm4b:s1+s3], $0x80, v25, vm0, $0xb8;
	[tilespmem:$0x8280] =	vst v63  }
0x82: {  	v25 =	vld [tilespmem:$0xB0];
	_ =	sdelay $0x2  }
0x83: {  	v26 =	vld [tilespmem:$0x130];
	_ =	sdelay $0x1  }
0x84: {  	v25 =	vadd.s32 v4, v25  }
0x85: {  	v25 =	vmul.u32 $0xC8, v25;
	_ =	sdelay $0x1  }
0x86: {  	v25 =	vadd.s32 v26, v25;
	_ =	sdelay $0x4  }
0x87: {  	[tilespmem:s10], [sflag:$0x1] =	stream.indirect_vreg.gather [hbm4b:s1+s3], $0x80, v25, vm0, $0xb8;
	[tilespmem:$0x8280] =	vst v63  }
0x88: {  	v25 =	vld [tilespmem:$0xC0];
	_ =	sdelay $0x2  }
0x89: {  	v26 =	vld [tilespmem:$0x140];
	_ =	sdelay $0x1  }
0x8a: {  	v25 =	vadd.s32 v5, v25  }
0x8b: {  	v25 =	vmul.u32 $0xC8, v25;
	_ =	sdelay $0x1  }
0x8c: {  	v25 =	vadd.s32 v26, v25;
	_ =	sdelay $0x4  }
0x8d: {  	[tilespmem:s11], [sflag:$0x1] =	stream.indirect_vreg.gather [hbm4b:s1+s3], $0x80, v25, vm0, $0xb8;
	[tilespmem:$0x8280] =	vst v63  }
0x8e: {  	v25 =	vld [tilespmem:$0xD0];
	_ =	sdelay $0x2  }
0x8f: {  	v26 =	vld [tilespmem:$0x150];
	_ =	sdelay $0x1  }
0x90: {  	v25 =	vadd.s32 v6, v25  }
0x91: {  	v25 =	vmul.u32 $0xC8, v25;
	_ =	sdelay $0x1  }
0x92: {  	v25 =	vadd.s32 v26, v25;
	_ =	sdelay $0x4  }
0x93: {  	[tilespmem:s12], [sflag:$0x1] =	stream.indirect_vreg.gather [hbm4b:s1+s3], $0x80, v25, vm0, $0xb8;
	[tilespmem:$0x8280] =	vst v63  }
0x94: {  	v25 =	vld [tilespmem:$0xE0];
	_ =	sdelay $0x2  }
0x95: {  	v26 =	vld [tilespmem:$0x160];
	_ =	sdelay $0x1  }
0x96: {  	v25 =	vadd.s32 v8, v25  }
0x97: {  	v25 =	vmul.u32 $0xC8, v25;
	_ =	sdelay $0x1  }
0x98: {  	v25 =	vadd.s32 v26, v25;
	_ =	sdelay $0x4  }
0x99: {  	[tilespmem:s13], [sflag:$0x1] =	stream.indirect_vreg.gather [hbm4b:s1+s3], $0x80, v25, vm0, $0xb8;
	[tilespmem:$0x8280] =	vst v63  }
0x9a: {  	v25 =	vld [tilespmem:$0xF0];
	_ =	sdelay $0x2  }
0x9b: {  	v26 =	vld [tilespmem:$0x170];
	_ =	sdelay $0x1  }
0x9c: {  	v25 =	vadd.s32 v9, v25  }
0x9d: {  	v25 =	vmul.u32 $0xC8, v25;
	_ =	sdelay $0x1  }
0x9e: {  	v25 =	vadd.s32 v26, v25;
	_ =	sdelay $0x4  }
0x9f: {  	[tilespmem:s14], [sflag:$0x1] =	stream.indirect_vreg.gather [hbm4b:s1+s3], $0x80, v25, vm0, $0xb8;
	[tilespmem:$0x8280] =	vst v63  }
0xa0: {  	_ =	swait.ge [sflag:s15], $0x80  }
0xa1: {  	[sflag:s15] =	ssyncset.done $0x0  }
0xa2: {  	[sflag:s15] =	ssyncadd.s32 $0xFFFFFF80  }
0xa3: {  	_ =	swait.ge [sflag:s6], $0x800  }
0xa4: {  	[sflag:s6] =	ssyncset.done $0x0  }
0xa5: {  	[sflag:s6] =	ssyncadd.s32 $0xFFFFF800  }
0xa6: {  	v25 =	vld [tilespmem:$0x0];
	_ =	sdelay $0x4  }
0xa7: {  	v25 =	vadd.s32 v7, v25;
	_ =	sdelay $0x4  }
0xa8: {  	v25 =	vld.idx.msk [tilespmem:v25+s7+$0x0], $0xffff;
	_ =	sdelay $0x4  }
0xa9: {  	[tilespmem:$0x8180] =	vst v25  }
0xaa: {  	[hbm4b:s4+s3] =	stream.linear.scatter [tilespmem:s16], [sflag:$0x2], $0x10, $0x38;
	[tilespmem:$0x8280] =	vst v63  }
0xab: {  	_ =	swait.ge [sflag:s6], $0x800  }
0xac: {  	[sflag:s6] =	ssyncset.done $0x0  }
0xad: {  	[sflag:s6] =	ssyncadd.s32 $0xFFFFF800  }
0xae: {  	v25 =	vld [tilespmem:$0x10];
	_ =	sdelay $0x4  }
0xaf: {  	v25 =	vadd.s32 v10, v25;
	_ =	sdelay $0x4  }
0xb0: {  	v25 =	vld.idx.msk [tilespmem:v25+s7+$0x0], $0xffff;
	_ =	sdelay $0x4  }
0xb1: {  	s9 =	rddreg [dreg:$0x7];
	[tilespmem:$0x8190] =	vst v25  }
0xb2: {  	[hbm4b:s9+s3] =	stream.linear.scatter [tilespmem:s17], [sflag:$0x2], $0x10, $0x38;
	[tilespmem:$0x8280] =	vst v63  }
0xb3: {  	_ =	swait.ge [sflag:s6], $0x800  }
0xb4: {  	[sflag:s6] =	ssyncset.done $0x0  }
0xb5: {  	[sflag:s6] =	ssyncadd.s32 $0xFFFFF800  }
0xb6: {  	v25 =	vld [tilespmem:$0x20];
	_ =	sdelay $0x4  }
0xb7: {  	v25 =	vadd.s32 v11, v25;
	_ =	sdelay $0x4  }
0xb8: {  	v25 =	vld.idx.msk [tilespmem:v25+s7+$0x0], $0xffff;
	_ =	sdelay $0x4  }
0xb9: {  	s8 =	rddreg [dreg:$0x8];
	[tilespmem:$0x81A0] =	vst v25  }
0xba: {  	[hbm4b:s8+s3] =	stream.linear.scatter [tilespmem:s18], [sflag:$0x2], $0x10, $0x38;
	[tilespmem:$0x8280] =	vst v63  }
0xbb: {  	_ =	swait.ge [sflag:s6], $0x800  }
0xbc: {  	[sflag:s6] =	ssyncset.done $0x0  }
0xbd: {  	[sflag:s6] =	ssyncadd.s32 $0xFFFFF800  }
0xbe: {  	v25 =	vld [tilespmem:$0x30];
	_ =	sdelay $0x4  }
0xbf: {  	v25 =	vadd.s32 v12, v25;
	_ =	sdelay $0x4  }
0xc0: {  	v25 =	vld.idx.msk [tilespmem:v25+s7+$0x0], $0xffff;
	_ =	sdelay $0x4  }
0xc1: {  	s9 =	rddreg [dreg:$0x9];
	[tilespmem:$0x81B0] =	vst v25  }
0xc2: {  	[hbm4b:s9+s3] =	stream.linear.scatter [tilespmem:s19], [sflag:$0x2], $0x10, $0x38;
	[tilespmem:$0x8280] =	vst v63  }
0xc3: {  	_ =	swait.ge [sflag:s6], $0x800  }
0xc4: {  	[sflag:s6] =	ssyncset.done $0x0  }
0xc5: {  	[sflag:s6] =	ssyncadd.s32 $0xFFFFF800  }
0xc6: {  	v25 =	vld [tilespmem:$0x40];
	_ =	sdelay $0x4  }
0xc7: {  	v25 =	vadd.s32 v13, v25;
	_ =	sdelay $0x4  }
0xc8: {  	v25 =	vld.idx.msk [tilespmem:v25+s7+$0x0], $0xffff;
	_ =	sdelay $0x4  }
0xc9: {  	s8 =	rddreg [dreg:$0xa];
	[tilespmem:$0x81C0] =	vst v25  }
0xca: {  	[hbm4b:s8+s3] =	stream.linear.scatter [tilespmem:s20], [sflag:$0x2], $0x10, $0x38;
	[tilespmem:$0x8280] =	vst v63  }
0xcb: {  	_ =	swait.ge [sflag:s6], $0x800  }
0xcc: {  	[sflag:s6] =	ssyncset.done $0x0  }
0xcd: {  	[sflag:s6] =	ssyncadd.s32 $0xFFFFF800  }
0xce: {  	v25 =	vld [tilespmem:$0x50];
	_ =	sdelay $0x4  }
0xcf: {  	v25 =	vadd.s32 v14, v25;
	_ =	sdelay $0x4  }
0xd0: {  	v25 =	vld.idx.msk [tilespmem:v25+s7+$0x0], $0xffff;
	_ =	sdelay $0x4  }
0xd1: {  	s9 =	rddreg [dreg:$0xb];
	[tilespmem:$0x81D0] =	vst v25  }
0xd2: {  	[hbm4b:s9+s3] =	stream.linear.scatter [tilespmem:s21], [sflag:$0x2], $0x10, $0x38;
	[tilespmem:$0x8280] =	vst v63  }
0xd3: {  	_ =	swait.ge [sflag:s6], $0x800  }
0xd4: {  	[sflag:s6] =	ssyncset.done $0x0  }
0xd5: {  	[sflag:s6] =	ssyncadd.s32 $0xFFFFF800  }
0xd6: {  	v25 =	vld [tilespmem:$0x60];
	_ =	sdelay $0x4  }
0xd7: {  	v25 =	vadd.s32 v15, v25;
	_ =	sdelay $0x4  }
0xd8: {  	v25 =	vld.idx.msk [tilespmem:v25+s7+$0x0], $0xffff;
	_ =	sdelay $0x4  }
0xd9: {  	s8 =	rddreg [dreg:$0xc];
	[tilespmem:$0x81E0] =	vst v25  }
0xda: {  	[hbm4b:s8+s3] =	stream.linear.scatter [tilespmem:s22], [sflag:$0x2], $0x10, $0x38;
	[tilespmem:$0x8280] =	vst v63  }
0xdb: {  	_ =	swait.ge [sflag:s6], $0x800  }
0xdc: {  	[sflag:s6] =	ssyncset.done $0x0  }
0xdd: {  	[sflag:s6] =	ssyncadd.s32 $0xFFFFF800  }
0xde: {  	v25 =	vld [tilespmem:$0x70];
	_ =	sdelay $0x4  }
0xdf: {  	v25 =	vadd.s32 v16, v25;
	_ =	sdelay $0x4  }
0xe0: {  	v25 =	vld.idx.msk [tilespmem:v25+s7+$0x0], $0xffff;
	_ =	sdelay $0x4  }
0xe1: {  	s9 =	rddreg [dreg:$0xd];
	[tilespmem:$0x81F0] =	vst v25  }
0xe2: {  	[hbm4b:s9+s3] =	stream.linear.scatter [tilespmem:s23], [sflag:$0x2], $0x10, $0x38;
	[tilespmem:$0x8280] =	vst v63  }
0xe3: {  	_ =	swait.ge [sflag:s6], $0x800  }
0xe4: {  	[sflag:s6] =	ssyncset.done $0x0  }
0xe5: {  	[sflag:s6] =	ssyncadd.s32 $0xFFFFF800  }
0xe6: {  	v25 =	vld [tilespmem:$0x0];
	_ =	sdelay $0x4  }
0xe7: {  	v25 =	vadd.s32 v17, v25;
	_ =	sdelay $0x4  }
0xe8: {  	v25 =	vld.idx.msk [tilespmem:v25+s7+$0x0], $0xffff;
	_ =	sdelay $0x4  }
0xe9: {  	s8 =	rddreg [dreg:$0xe];
	[tilespmem:$0x8200] =	vst v25  }
0xea: {  	[hbm4b:s8+s3] =	stream.linear.scatter [tilespmem:s24], [sflag:$0x2], $0x10, $0x38;
	[tilespmem:$0x8280] =	vst v63  }
0xeb: {  	_ =	swait.ge [sflag:s6], $0x800  }
0xec: {  	[sflag:s6] =	ssyncset.done $0x0  }
0xed: {  	[sflag:s6] =	ssyncadd.s32 $0xFFFFF800  }
0xee: {  	v25 =	vld [tilespmem:$0x10];
	_ =	sdelay $0x4  }
0xef: {  	v25 =	vadd.s32 v18, v25;
	_ =	sdelay $0x4  }
0xf0: {  	v25 =	vld.idx.msk [tilespmem:v25+s7+$0x0], $0xffff;
	_ =	sdelay $0x4  }
0xf1: {  	s9 =	rddreg [dreg:$0xf];
	[tilespmem:$0x8210] =	vst v25  }
0xf2: {  	[hbm4b:s9+s3] =	stream.linear.scatter [tilespmem:s25], [sflag:$0x2], $0x10, $0x38;
	[tilespmem:$0x8280] =	vst v63  }
0xf3: {  	_ =	swait.ge [sflag:s6], $0x800  }
0xf4: {  	[sflag:s6] =	ssyncset.done $0x0  }
0xf5: {  	[sflag:s6] =	ssyncadd.s32 $0xFFFFF800  }
0xf6: {  	v25 =	vld [tilespmem:$0x20];
	_ =	sdelay $0x4  }
0xf7: {  	v25 =	vadd.s32 v19, v25;
	_ =	sdelay $0x4  }
0xf8: {  	v25 =	vld.idx.msk [tilespmem:v25+s7+$0x0], $0xffff;
	_ =	sdelay $0x4  }
0xf9: {  	s8 =	rddreg [dreg:$0x10];
	[tilespmem:$0x8220] =	vst v25  }
0xfa: {  	[hbm4b:s8+s3] =	stream.linear.scatter [tilespmem:s26], [sflag:$0x2], $0x10, $0x38;
	[tilespmem:$0x8280] =	vst v63  }
0xfb: {  	_ =	swait.ge [sflag:s6], $0x800  }
0xfc: {  	[sflag:s6] =	ssyncset.done $0x0  }
0xfd: {  	[sflag:s6] =	ssyncadd.s32 $0xFFFFF800  }
0xfe: {  	v25 =	vld [tilespmem:$0x30];
	_ =	sdelay $0x4  }
0xff: {  	v25 =	vadd.s32 v20, v25;
	_ =	sdelay $0x4  }
0x100: {  	v25 =	vld.idx.msk [tilespmem:v25+s7+$0x0], $0xffff;
	_ =	sdelay $0x4  }
0x101: {  	s9 =	rddreg [dreg:$0x11];
	[tilespmem:$0x8230] =	vst v25  }
0x102: {  	[hbm4b:s9+s3] =	stream.linear.scatter [tilespmem:s28], [sflag:$0x2], $0x10, $0x38;
	[tilespmem:$0x8280] =	vst v63  }
0x103: {  	_ =	swait.ge [sflag:s6], $0x800  }
0x104: {  	[sflag:s6] =	ssyncset.done $0x0  }
0x105: {  	[sflag:s6] =	ssyncadd.s32 $0xFFFFF800  }
0x106: {  	v25 =	vld [tilespmem:$0x40];
	_ =	sdelay $0x4  }
0x107: {  	v25 =	vadd.s32 v21, v25;
	_ =	sdelay $0x4  }
0x108: {  	v25 =	vld.idx.msk [tilespmem:v25+s7+$0x0], $0xffff;
	_ =	sdelay $0x4  }
0x109: {  	s8 =	rddreg [dreg:$0x12];
	[tilespmem:$0x8240] =	vst v25  }
0x10a: {  	[hbm4b:s8+s3] =	stream.linear.scatter [tilespmem:s29], [sflag:$0x2], $0x10, $0x38;
	[tilespmem:$0x8280] =	vst v63  }
0x10b: {  	_ =	swait.ge [sflag:s6], $0x800  }
0x10c: {  	[sflag:s6] =	ssyncset.done $0x0  }
0x10d: {  	[sflag:s6] =	ssyncadd.s32 $0xFFFFF800  }
0x10e: {  	v25 =	vld [tilespmem:$0x50];
	_ =	sdelay $0x4  }
0x10f: {  	v25 =	vadd.s32 v22, v25;
	_ =	sdelay $0x4  }
0x110: {  	v25 =	vld.idx.msk [tilespmem:v25+s7+$0x0], $0xffff;
	_ =	sdelay $0x4  }
0x111: {  	s9 =	rddreg [dreg:$0x13];
	[tilespmem:$0x8250] =	vst v25  }
0x112: {  	[hbm4b:s9+s3] =	stream.linear.scatter [tilespmem:s30], [sflag:$0x2], $0x10, $0x38;
	[tilespmem:$0x8280] =	vst v63  }
0x113: {  	_ =	swait.ge [sflag:s6], $0x800  }
0x114: {  	[sflag:s6] =	ssyncset.done $0x0  }
0x115: {  	[sflag:s6] =	ssyncadd.s32 $0xFFFFF800  }
0x116: {  	v25 =	vld [tilespmem:$0x60];
	_ =	sdelay $0x4  }
0x117: {  	v25 =	vadd.s32 v23, v25;
	_ =	sdelay $0x4  }
0x118: {  	v25 =	vld.idx.msk [tilespmem:v25+s7+$0x0], $0xffff;
	_ =	sdelay $0x4  }
0x119: {  	s8 =	rddreg [dreg:$0x14];
	[tilespmem:$0x8260] =	vst v25  }
0x11a: {  	[hbm4b:s8+s3] =	stream.linear.scatter [tilespmem:s31], [sflag:$0x2], $0x10, $0x38;
	[tilespmem:$0x8280] =	vst v63  }
0x11b: {  	_ =	swait.ge [sflag:s6], $0x800  }
0x11c: {  	[sflag:s6] =	ssyncset.done $0x0  }
0x11d: {  	[sflag:s6] =	ssyncadd.s32 $0xFFFFF800  }
0x11e: {  	v25 =	vld [tilespmem:$0x70];
	_ =	sdelay $0x4  }
0x11f: {  	v25 =	vadd.s32 v24, v25;
	_ =	sdelay $0x4  }
0x120: {  	v25 =	vld.idx.msk [tilespmem:v25+s7+$0x0], $0xffff;
	_ =	sdelay $0x4  }
0x121: {  	s9 =	rddreg [dreg:$0x15];
	[tilespmem:$0x8270] =	vst v25  }
0x122: {  	[hbm4b:s9+s3] =	stream.linear.scatter [tilespmem:s0], [sflag:$0x2], $0x10, $0x38;
	[tilespmem:$0x8280] =	vst v63  }
0x123: {  	_ =	swait.ge [sflag:s15], $0x10  }
0x124: {  	[sflag:s15] =	ssyncset.done $0x0  }
0x125: {  	[sflag:s15] =	ssyncadd.s32 $0xFFFFFFF0  }
0x126: {  	_ =	swait.ge [sflag:s15], $0x10  }
0x127: {  	[sflag:s15] =	ssyncset.done $0x0  }
0x128: {  	[sflag:s15] =	ssyncadd.s32 $0xFFFFFFF0  }
0x129: {  	_ =	swait.ge [sflag:s15], $0x10  }
0x12a: {  	[sflag:s15] =	ssyncset.done $0x0  }
0x12b: {  	[sflag:s15] =	ssyncadd.s32 $0xFFFFFFF0  }
0x12c: {  	_ =	swait.ge [sflag:s15], $0x10  }
0x12d: {  	[sflag:s15] =	ssyncset.done $0x0  }
0x12e: {  	[sflag:s15] =	ssyncadd.s32 $0xFFFFFFF0  }
0x12f: {  	_ =	swait.ge [sflag:s15], $0x10  }
0x130: {  	[sflag:s15] =	ssyncset.done $0x0  }
0x131: {  	[sflag:s15] =	ssyncadd.s32 $0xFFFFFFF0  }
0x132: {  	_ =	swait.ge [sflag:s15], $0x10  }
0x133: {  	[sflag:s15] =	ssyncset.done $0x0  }
0x134: {  	[sflag:s15] =	ssyncadd.s32 $0xFFFFFFF0  }
0x135: {  	_ =	swait.ge [sflag:s15], $0x10  }
0x136: {  	[sflag:s15] =	ssyncset.done $0x0  }
0x137: {  	[sflag:s15] =	ssyncadd.s32 $0xFFFFFFF0  }
0x138: {  	_ =	swait.ge [sflag:s15], $0x10  }
0x139: {  	[sflag:s15] =	ssyncset.done $0x0  }
0x13a: {  	[sflag:s15] =	ssyncadd.s32 $0xFFFFFFF0  }
0x13b: {  	_ =	swait.ge [sflag:s15], $0x10  }
0x13c: {  	[sflag:s15] =	ssyncset.done $0x0  }
0x13d: {  	[sflag:s15] =	ssyncadd.s32 $0xFFFFFFF0  }
0x13e: {  	_ =	swait.ge [sflag:s15], $0x10  }
0x13f: {  	[sflag:s15] =	ssyncset.done $0x0  }
0x140: {  	[sflag:s15] =	ssyncadd.s32 $0xFFFFFFF0  }
0x141: {  	_ =	swait.ge [sflag:s15], $0x10  }
0x142: {  	[sflag:s15] =	ssyncset.done $0x0  }
0x143: {  	[sflag:s15] =	ssyncadd.s32 $0xFFFFFFF0  }
0x144: {  	_ =	swait.ge [sflag:s15], $0x10  }
0x145: {  	[sflag:s15] =	ssyncset.done $0x0  }
0x146: {  	[sflag:s15] =	ssyncadd.s32 $0xFFFFFFF0  }
0x147: {  	_ =	swait.ge [sflag:s15], $0x10  }
0x148: {  	[sflag:s15] =	ssyncset.done $0x0  }
0x149: {  	[sflag:s15] =	ssyncadd.s32 $0xFFFFFFF0  }
0x14a: {  	_ =	swait.ge [sflag:s15], $0x10  }
0x14b: {  	[sflag:s15] =	ssyncset.done $0x0  }
0x14c: {  	[sflag:s15] =	ssyncadd.s32 $0xFFFFFFF0  }
0x14d: {  	p0 =	sne.s32 s5, $0x1;
	_ =	swait.ge [sflag:s15], $0x10  }
.Ltmp0:
0x14e: {  	[sflag:s15] =	ssyncset.done $0x0;
	(pc) =	sbr.rel @p0 .LBB2_1-.Ltmp0, $4  }
0x14f: {  	[sflag:s15] =	ssyncadd.s32 $0xFFFFFFF0  }
0x150: {  	_ =	swait.ge [sflag:s15], $0x10  }
0x151: {  	[sflag:s15] =	ssyncset.done $0x0  }
0x152: {  	s5 =	sadd.s32 $0xFFFFFFFF, s5;
	[sflag:s15] =	ssyncadd.s32 $0xFFFFFFF0  }
0x153: {  	_ =	sfence.sel $0x180000  }
0x154: {  	[bflag:$0x0] =	sbarrier.arrive $0xFFFF  }
0x155: {  	_ =	strace $0x90000047  }
0x156: {  	s0 =	stileid.u32;
	[bflag:$0x2] =	sbarrier.arrive $0xFFFF  }
0x157: {  	p0 =	sne.s32 s0, $0x0;
	s0 =	rddreg [dreg:$0x4]  }
0x158: {  	s0 =	sadd.s32 @!p0 $0x100000, s0  }
0x159: {  	[sflag:s0] =	ssyncadd.tile.s32 @!p0 $0x1;
	_ =	shalt  }
.Lfunc_end2:
_tile_overlayer_lowered:
.L_overlay_start_2:
0x15a: {  	(tag) =	ssettag $0x2  }
0x15b: {  	s0 =	rddreg [dreg:$0x0];
	s2 =	stileid.u32  }
0x15c: {  	s1 =	rddreg [dreg:$0x1];
	p0 =	sne.s32 s2, $0x0  }
0x15d: {  	s3 =	rddreg [dreg:$0x2];
	[bflag:$0x3] =	sbarrier.arrive $0xFFFF;
	s2 =	simm.s32 @!p0 $0x1C03  }
0x15e: {  	[timem:s3], [sflag:s2] =	dma.local @!p0 [hbm:s0], s1  }
0x15f: {  	s0 =	simm.s32 @!p0 $0x3  }
0x160: {  	_ =	swait.ge @!p0 [sflag:s0], s1  }
0x161: {  	s1 =	ssub.s32 @!p0 $0x0, s1;
	[sflag:s0] =	ssyncset.done @!p0 $0x0  }
0x162: {  	[sflag:s0] =	ssyncadd.s32 @!p0 s1  }
0x163: {  	[bflag:$0x3] =	sbarrier.arrive $0xFFFF  }
0x164: {  	_ =	shalt  }

</sc_bundles>
